<compile_context>
chip_gen: v7x
topology: tpu7x:2x2x1
jax: 0.10.2.dev20260603
libtpu: 0.0.44.dev20260713+nightly
codegen_flags: <defaults>
</compile_context>

<pallas_src>
import functools

import jax
import jax.numpy as jnp
from jax import lax
from jax.experimental import pallas as pl
from jax.experimental.pallas import tpu as pltpu
from jax.experimental.pallas import tpu_sc as plsc

N_NODES = 10000
N_EDGES = 320000
D_FEAT = 128

NC = 2
NS = 16
NW = NC * NS
EPT = N_EDGES // NW
CHUNK = 80
CPT = EPT // CHUNK
N_PAD = 10240
ROWS_PER_TILE = N_PAD // NS
NBUF = 3

_mesh = plsc.VectorSubcoreMesh(core_axis_name="c", subcore_axis_name="s")


@functools.partial(
    pl.kernel,
    out_type=[jax.ShapeDtypeStruct((N_PAD, D_FEAT), jnp.float32),
              jax.ShapeDtypeStruct((N_PAD, D_FEAT), jnp.float32)],
    mesh=_mesh,
    scratch_types=[
        pltpu.VMEM((EPT,), jnp.int32),
        [pltpu.VMEM((CHUNK,), jnp.int32) for _ in range(NBUF)],
        [pltpu.VMEM((CHUNK, D_FEAT), jnp.float32) for _ in range(NBUF)],
        pltpu.VMEM_SHARED((N_PAD, D_FEAT), jnp.float32),
        [pltpu.SemaphoreType.DMA for _ in range(3 * NBUF + 1)],
    ],
)
def _sc_segment_sum(feat_hbm, src_hbm, dst_hbm, zero_hbm, part0_hbm, part1_hbm,
                    src_all, dbufs, rbufs, acc, sems):
    c = lax.axis_index("c")
    s = lax.axis_index("s")
    wid = c * NS + s
    cbase = wid * CPT
    gsems, dsems, ssems = sems[0:NBUF], sems[NBUF:2 * NBUF], sems[2 * NBUF:3 * NBUF]
    zsem = sems[3 * NBUF]

    r0 = s * ROWS_PER_TILE
    pltpu.async_copy(zero_hbm.at[pl.ds(r0, ROWS_PER_TILE)],
                     acc.at[pl.ds(r0, ROWS_PER_TILE)], zsem)

    pltpu.sync_copy(src_hbm.at[pl.ds(wid * EPT, EPT)], src_all)

    def gather_start(e, m):
        pltpu.async_copy(feat_hbm.at[src_all.at[pl.ds(e * CHUNK, CHUNK)]],
                         rbufs[m], gsems[m])

    def gather_wait(e, m):
        pltpu.make_async_copy(feat_hbm.at[src_all.at[pl.ds(e * CHUNK, CHUNK)]],
                              rbufs[m], gsems[m]).wait()

    def dst_start(e, m):
        pltpu.async_copy(dst_hbm.at[cbase + e], dbufs[m], dsems[m])

    def dst_wait(e, m):
        pltpu.make_async_copy(dst_hbm.at[cbase + e], dbufs[m], dsems[m]).wait()

    def scatter_start(m):
        pltpu.async_copy(rbufs[m], acc.at[dbufs[m]], ssems[m], add=True)

    def scatter_wait(m):
        pltpu.make_async_copy(rbufs[m], acc.at[dbufs[m]], ssems[m]).wait()

    def slot(e, m, tail_wait=True, prefetch=True):
        gather_wait(e, m)
        dst_wait(e, m)
        scatter_start(m)
        if tail_wait:
            scatter_wait((m + 2) % NBUF)
        if prefetch:
            gather_start(e + 2, (m + 2) % NBUF)
            dst_start(e + 2, (m + 2) % NBUF)

    gather_start(0, 0)
    dst_start(0, 0)
    gather_start(1, 1)
    dst_start(1, 1)

    pltpu.make_async_copy(zero_hbm.at[pl.ds(r0, ROWS_PER_TILE)],
                          acc.at[pl.ds(r0, ROWS_PER_TILE)], zsem).wait()
    plsc.subcore_barrier()

    slot(0, 0, tail_wait=False)
    slot(1, 1)
    slot(2, 2)

    def step(k, carry):
        e = 3 * k + 3
        slot(e, 0)
        slot(e + 1, 1)
        slot(e + 2, 2)
        return carry

    lax.fori_loop(0, (CPT - 5) // 3, step, 0)

    slot(CPT - 2, (CPT - 2) % NBUF, prefetch=False)
    slot(CPT - 1, (CPT - 1) % NBUF, prefetch=False)
    scatter_wait((CPT - 1) % NBUF)
    plsc.subcore_barrier()

    @pl.when(c == 0)
    def _():
        pltpu.sync_copy(acc.at[pl.ds(r0, ROWS_PER_TILE)],
                        part0_hbm.at[pl.ds(r0, ROWS_PER_TILE)])

    @pl.when(c == 1)
    def _():
        pltpu.sync_copy(acc.at[pl.ds(r0, ROWS_PER_TILE)],
                        part1_hbm.at[pl.ds(r0, ROWS_PER_TILE)])


def _combine_body(a_ref, b_ref, o_ref):
    o_ref[...] = a_ref[...] + b_ref[...]


_BLK = 80
_N_BLK = N_NODES // _BLK
_PAD_BLKS = N_PAD // _BLK


def _combine(partial):
    return pl.pallas_call(
        _combine_body,
        out_shape=jax.ShapeDtypeStruct((N_NODES, D_FEAT), jnp.float32),
        grid=(_N_BLK,),
        in_specs=[
            pl.BlockSpec((_BLK, D_FEAT), lambda i: (i, 0)),
            pl.BlockSpec((_BLK, D_FEAT), lambda i: (i, 0)),
        ],
        out_specs=pl.BlockSpec((_BLK, D_FEAT), lambda i: (i, 0)),
    )(*partial)


def kernel(features, edge_index):
    src = edge_index[0].astype(jnp.int32)
    dst = edge_index[1].astype(jnp.int32).reshape(N_EDGES // CHUNK, CHUNK)
    zeros = jnp.zeros((N_PAD, D_FEAT), jnp.float32)
    partial = _sc_segment_sum(features, src, dst, zeros)
    return _combine(partial)

# --- scband reference (transcript-rebuilt; emitter-appended) ---
"""Pipeline reference for scband-gcnlayer-52329881534569 (READ-ONLY COPY).

The authoritative reference and input builder live on the scoring server;
editing this copy changes nothing except your own understanding.
"""

import jax, jax.numpy as jnp
import numpy as np

N_NODES = 10000
N_EDGES = 320000
D_FEAT = 128


def setup_inputs(seed: int = 0) -> dict:
    key = jax.random.key(seed)
    k1, k2 = jax.random.split(key)
    features = jax.random.normal(k1, (N_NODES, D_FEAT), dtype=jnp.float32)
    edge_index = jax.random.randint(k2, (2, N_EDGES), 0, N_NODES, dtype=jnp.int64)
    return {"features": features, "edge_index": edge_index}


def reference(features, edge_index):
    # DGL update_all(copy_u('h','m'), sum('m','h')):
    # message on edge (u,v) is h[u]; reduce at v is sum over incoming edges.
    src = edge_index[0]
    dst = edge_index[1]
    msgs = jnp.take(features, src, axis=0)  # gather: copy_u
    h = jax.ops.segment_sum(msgs, dst, num_segments=features.shape[0])  # scatter-add reduce
    return h

if __name__ == "__main__":
    import jax
    _d = setup_inputs()
    print(jax.jit(kernel)(*tuple(_d.values())))

</pallas_src>

<mosaic_0001>
#map = affine_map<(d0, d1) -> (0, 0)>
#map1 = affine_map<(d0, d1) -> (0)>
module attributes {stable_mosaic.version = 14 : i64} {
  func.func @_sc_segment_sum(%arg0: i32, %arg1: i32, %arg2: memref<10000x128xf32, #tpu.memory_space<hbm>>, %arg3: memref<320000xi32, #tpu.memory_space<hbm>>, %arg4: memref<4000x80xi32, #tpu.memory_space<hbm>>, %arg5: memref<10240x128xf32, #tpu.memory_space<hbm>>, %arg6: memref<10240x128xf32, #tpu.memory_space<hbm>>, %arg7: memref<10240x128xf32, #tpu.memory_space<hbm>>, %arg8: memref<10000xi32, #tpu.memory_space<vmem>>, %arg9: memref<80xi32, #tpu.memory_space<vmem>>, %arg10: memref<80xi32, #tpu.memory_space<vmem>>, %arg11: memref<80xi32, #tpu.memory_space<vmem>>, %arg12: memref<80x128xf32, #tpu.memory_space<vmem>>, %arg13: memref<80x128xf32, #tpu.memory_space<vmem>>, %arg14: memref<80x128xf32, #tpu.memory_space<vmem>>, %arg15: memref<10240x128xf32, #tpu.memory_space<vmem_shared>>, %arg16: memref<!tpu.dma_semaphore, #tpu.memory_space<semaphore_mem>>, %arg17: memref<!tpu.dma_semaphore, #tpu.memory_space<semaphore_mem>>, %arg18: memref<!tpu.dma_semaphore, #tpu.memory_space<semaphore_mem>>, %arg19: memref<!tpu.dma_semaphore, #tpu.memory_space<semaphore_mem>>, %arg20: memref<!tpu.dma_semaphore, #tpu.memory_space<semaphore_mem>>, %arg21: memref<!tpu.dma_semaphore, #tpu.memory_space<semaphore_mem>>, %arg22: memref<!tpu.dma_semaphore, #tpu.memory_space<semaphore_mem>>, %arg23: memref<!tpu.dma_semaphore, #tpu.memory_space<semaphore_mem>>, %arg24: memref<!tpu.dma_semaphore, #tpu.memory_space<semaphore_mem>>, %arg25: memref<!tpu.dma_semaphore, #tpu.memory_space<semaphore_mem>>) attributes {dimension_semantics = [#tpu.dimension_semantics<core_parallel>, #tpu.dimension_semantics<subcore_parallel>], iteration_bounds = array<i64: 2, 16>, scalar_prefetch = 0 : i64, scratch_operands = 18 : i64, tpu.core_type = #tpu.core_type<sc_vector_subcore>, window_params = [{transform_indices = #map}, {transform_indices = #map1}, {transform_indices = #map}, {transform_indices = #map}, {transform_indices = #map}, {transform_indices = #map}]} {
    %mul3A = arith.constant 16 : i32
    %mul3A_0 = arith.muli %arg0, %mul3A : i32
    %add3A = arith.addi %mul3A_0, %arg1 : i32
    %mul3A_1 = arith.constant 125 : i32
    %mul3A_2 = arith.muli %add3A, %mul3A_1 : i32
    %mul3A_3 = arith.constant 640 : i32
    %mul3A_4 = arith.muli %arg1, %mul3A_3 : i32
    %dma_start3A = arith.constant 0 : i32
    %dma_start3A_5 = tpu.memref_slice %arg15[%mul3A_4, %dma_start3A] : memref<10240x128xf32, #tpu.memory_space<vmem_shared>> -> memref<640x128xf32, #tpu.memory_space<vmem_shared>>
    %dma_start3A_6 = arith.constant 0 : i32
    %dma_start3A_7 = tpu.memref_slice %arg5[%mul3A_4, %dma_start3A_6] : memref<10240x128xf32, #tpu.memory_space<hbm>> -> memref<640x128xf32, #tpu.memory_space<hbm>>
    tpu.enqueue_dma source(%dma_start3A_7 : memref<640x128xf32, #tpu.memory_space<hbm>>) target(%dma_start3A_5 : memref<640x128xf32, #tpu.memory_space<vmem_shared>>) target_semaphore(%arg25 : memref<!tpu.dma_semaphore, #tpu.memory_space<semaphore_mem>>)
    %mul3A_8 = arith.constant 10000 : i32
    %mul3A_9 = arith.muli %add3A, %mul3A_8 : i32
    "tpu.region"() ({
      %run_scoped3A = tpu.sem_alloc : memref<!tpu.dma_semaphore, #tpu.memory_space<semaphore_mem>>
      %dma_start3A_186 = tpu.memref_slice %arg3[%mul3A_9] : memref<320000xi32, #tpu.memory_space<hbm>> -> memref<10000xi32, #tpu.memory_space<hbm>>
      %dma_start3A_187 = tpu.memref_slice %arg3[%mul3A_9] : memref<320000xi32, #tpu.memory_space<hbm>> -> memref<10000xi32, #tpu.memory_space<hbm>>
      tpu.enqueue_dma source(%dma_start3A_187 : memref<10000xi32, #tpu.memory_space<hbm>>) target(%arg8 : memref<10000xi32, #tpu.memory_space<vmem>>) target_semaphore(%run_scoped3A : memref<!tpu.dma_semaphore, #tpu.memory_space<semaphore_mem>>)
      %dma_wait3A_188 = tpu.memref_slice %arg3[%mul3A_9] : memref<320000xi32, #tpu.memory_space<hbm>> -> memref<10000xi32, #tpu.memory_space<hbm>>
      %dma_wait3A_189 = tpu.memref_slice %arg3[%mul3A_9] : memref<320000xi32, #tpu.memory_space<hbm>> -> memref<10000xi32, #tpu.memory_space<hbm>>
      tpu.wait_dma2 semaphore(%run_scoped3A : memref<!tpu.dma_semaphore, #tpu.memory_space<semaphore_mem>>) src(%dma_wait3A_189 : memref<10000xi32, #tpu.memory_space<hbm>>) dst(%arg8 : memref<10000xi32, #tpu.memory_space<vmem>>)
      tpu.yield
    }) : () -> ()
    %dma_start3A_10 = arith.constant 0 : i32
    %dma_start3A_11 = tpu.memref_slice %arg8[%dma_start3A_10] : memref<10000xi32, #tpu.memory_space<vmem>> -> memref<80xi32, #tpu.memory_space<vmem>>
    %dma_start3A_12 = arith.constant 0 : i32
    %dma_start3A_13 = arith.constant 0 : i32
    %dma_start3A_14 = tpu.memref_slice %arg2[%dma_start3A_12, %dma_start3A_13] : memref<10000x128xf32, #tpu.memory_space<hbm>> -> memref<10000x128xf32, #tpu.memory_space<hbm>>
    tpu.enqueue_indirect_dma source(%dma_start3A_14 : memref<10000x128xf32, #tpu.memory_space<hbm>>) target(%arg12 : memref<80x128xf32, #tpu.memory_space<vmem>>) offsets(%dma_start3A_11 : memref<80xi32, #tpu.memory_space<vmem>>) semaphore(%arg16 : memref<!tpu.dma_semaphore, #tpu.memory_space<semaphore_mem>>)
    %add3A_15 = arith.constant 0 : i32
    %add3A_16 = arith.addi %mul3A_2, %add3A_15 : i32
    %dma_start3A_17 = arith.constant 0 : i32
    %dma_start3A_18 = tpu.memref_slice %arg4[%add3A_16, %dma_start3A_17] : memref<4000x80xi32, #tpu.memory_space<hbm>> -> memref<1x80xi32, #tpu.memory_space<hbm>>
    %dma_start3A_19 = tpu.memref_squeeze %dma_start3A_18 : memref<1x80xi32, #tpu.memory_space<hbm>> -> memref<80xi32, #tpu.memory_space<hbm>>
    %dma_start3A_20 = arith.constant 0 : i32
    %dma_start3A_21 = tpu.memref_slice %arg4[%add3A_16, %dma_start3A_20] : memref<4000x80xi32, #tpu.memory_space<hbm>> -> memref<1x80xi32, #tpu.memory_space<hbm>>
    %dma_start3A_22 = tpu.memref_squeeze %dma_start3A_21 : memref<1x80xi32, #tpu.memory_space<hbm>> -> memref<80xi32, #tpu.memory_space<hbm>>
    tpu.enqueue_dma source(%dma_start3A_22 : memref<80xi32, #tpu.memory_space<hbm>>) target(%arg9 : memref<80xi32, #tpu.memory_space<vmem>>) target_semaphore(%arg19 : memref<!tpu.dma_semaphore, #tpu.memory_space<semaphore_mem>>)
    %dma_start3A_23 = arith.constant 80 : i32
    %dma_start3A_24 = tpu.memref_slice %arg8[%dma_start3A_23] : memref<10000xi32, #tpu.memory_space<vmem>> -> memref<80xi32, #tpu.memory_space<vmem>>
    %dma_start3A_25 = arith.constant 0 : i32
    %dma_start3A_26 = arith.constant 0 : i32
    %dma_start3A_27 = tpu.memref_slice %arg2[%dma_start3A_25, %dma_start3A_26] : memref<10000x128xf32, #tpu.memory_space<hbm>> -> memref<10000x128xf32, #tpu.memory_space<hbm>>
    tpu.enqueue_indirect_dma source(%dma_start3A_27 : memref<10000x128xf32, #tpu.memory_space<hbm>>) target(%arg13 : memref<80x128xf32, #tpu.memory_space<vmem>>) offsets(%dma_start3A_24 : memref<80xi32, #tpu.memory_space<vmem>>) semaphore(%arg17 : memref<!tpu.dma_semaphore, #tpu.memory_space<semaphore_mem>>)
    %add3A_28 = arith.constant 1 : i32
    %add3A_29 = arith.addi %mul3A_2, %add3A_28 : i32
    %dma_start3A_30 = arith.constant 0 : i32
    %dma_start3A_31 = tpu.memref_slice %arg4[%add3A_29, %dma_start3A_30] : memref<4000x80xi32, #tpu.memory_space<hbm>> -> memref<1x80xi32, #tpu.memory_space<hbm>>
    %dma_start3A_32 = tpu.memref_squeeze %dma_start3A_31 : memref<1x80xi32, #tpu.memory_space<hbm>> -> memref<80xi32, #tpu.memory_space<hbm>>
    %dma_start3A_33 = arith.constant 0 : i32
    %dma_start3A_34 = tpu.memref_slice %arg4[%add3A_29, %dma_start3A_33] : memref<4000x80xi32, #tpu.memory_space<hbm>> -> memref<1x80xi32, #tpu.memory_space<hbm>>
    %dma_start3A_35 = tpu.memref_squeeze %dma_start3A_34 : memref<1x80xi32, #tpu.memory_space<hbm>> -> memref<80xi32, #tpu.memory_space<hbm>>
    tpu.enqueue_dma source(%dma_start3A_35 : memref<80xi32, #tpu.memory_space<hbm>>) target(%arg10 : memref<80xi32, #tpu.memory_space<vmem>>) target_semaphore(%arg20 : memref<!tpu.dma_semaphore, #tpu.memory_space<semaphore_mem>>)
    %dma_wait3A = arith.constant 0 : i32
    %dma_wait3A_36 = tpu.memref_slice %arg15[%mul3A_4, %dma_wait3A] : memref<10240x128xf32, #tpu.memory_space<vmem_shared>> -> memref<640x128xf32, #tpu.memory_space<vmem_shared>>
    %dma_wait3A_37 = arith.constant 0 : i32
    %dma_wait3A_38 = tpu.memref_slice %arg5[%mul3A_4, %dma_wait3A_37] : memref<10240x128xf32, #tpu.memory_space<hbm>> -> memref<640x128xf32, #tpu.memory_space<hbm>>
    tpu.wait_dma2 semaphore(%arg25 : memref<!tpu.dma_semaphore, #tpu.memory_space<semaphore_mem>>) src(%dma_wait3A_38 : memref<640x128xf32, #tpu.memory_space<hbm>>) dst(%dma_wait3A_36 : memref<640x128xf32, #tpu.memory_space<vmem_shared>>)
    %barrier3A = arith.constant 0 : index
    tpu.barrier barrier_id(%barrier3A)
    %dma_wait3A_39 = arith.constant 0 : i32
    %dma_wait3A_40 = tpu.memref_slice %arg8[%dma_wait3A_39] : memref<10000xi32, #tpu.memory_space<vmem>> -> memref<80xi32, #tpu.memory_space<vmem>>
    %dma_wait3A_41 = arith.constant 0 : i32
    %dma_wait3A_42 = arith.constant 0 : i32
    %dma_wait3A_43 = tpu.memref_slice %arg2[%dma_wait3A_41, %dma_wait3A_42] : memref<10000x128xf32, #tpu.memory_space<hbm>> -> memref<10000x128xf32, #tpu.memory_space<hbm>>
    tpu.wait_indirect_dma semaphore(%arg16 : memref<!tpu.dma_semaphore, #tpu.memory_space<semaphore_mem>>) src(%dma_wait3A_43 : memref<10000x128xf32, #tpu.memory_space<hbm>>) dst(%arg12 : memref<80x128xf32, #tpu.memory_space<vmem>>)
    %add3A_44 = arith.constant 0 : i32
    %add3A_45 = arith.addi %mul3A_2, %add3A_44 : i32
    %dma_wait3A_46 = arith.constant 0 : i32
    %dma_wait3A_47 = tpu.memref_slice %arg4[%add3A_45, %dma_wait3A_46] : memref<4000x80xi32, #tpu.memory_space<hbm>> -> memref<1x80xi32, #tpu.memory_space<hbm>>
    %dma_wait3A_48 = tpu.memref_squeeze %dma_wait3A_47 : memref<1x80xi32, #tpu.memory_space<hbm>> -> memref<80xi32, #tpu.memory_space<hbm>>
    %dma_wait3A_49 = arith.constant 0 : i32
    %dma_wait3A_50 = tpu.memref_slice %arg4[%add3A_45, %dma_wait3A_49] : memref<4000x80xi32, #tpu.memory_space<hbm>> -> memref<1x80xi32, #tpu.memory_space<hbm>>
    %dma_wait3A_51 = tpu.memref_squeeze %dma_wait3A_50 : memref<1x80xi32, #tpu.memory_space<hbm>> -> memref<80xi32, #tpu.memory_space<hbm>>
    tpu.wait_dma2 semaphore(%arg19 : memref<!tpu.dma_semaphore, #tpu.memory_space<semaphore_mem>>) src(%dma_wait3A_51 : memref<80xi32, #tpu.memory_space<hbm>>) dst(%arg9 : memref<80xi32, #tpu.memory_space<vmem>>)
    %dma_start3A_52 = arith.constant 0 : i32
    %dma_start3A_53 = arith.constant 0 : i32
    %dma_start3A_54 = tpu.memref_slice %arg15[%dma_start3A_52, %dma_start3A_53] : memref<10240x128xf32, #tpu.memory_space<vmem_shared>> -> memref<10240x128xf32, #tpu.memory_space<vmem_shared>>
    tpu.enqueue_indirect_dma source(%arg12 : memref<80x128xf32, #tpu.memory_space<vmem>>) target(%dma_start3A_54 : memref<10240x128xf32, #tpu.memory_space<vmem_shared>>) offsets(%arg9 : memref<80xi32, #tpu.memory_space<vmem>>) semaphore(%arg22 : memref<!tpu.dma_semaphore, #tpu.memory_space<semaphore_mem>>) {add = true}
    %dma_start3A_55 = arith.constant 160 : i32
    %dma_start3A_56 = tpu.memref_slice %arg8[%dma_start3A_55] : memref<10000xi32, #tpu.memory_space<vmem>> -> memref<80xi32, #tpu.memory_space<vmem>>
    %dma_start3A_57 = arith.constant 0 : i32
    %dma_start3A_58 = arith.constant 0 : i32
    %dma_start3A_59 = tpu.memref_slice %arg2[%dma_start3A_57, %dma_start3A_58] : memref<10000x128xf32, #tpu.memory_space<hbm>> -> memref<10000x128xf32, #tpu.memory_space<hbm>>
    tpu.enqueue_indirect_dma source(%dma_start3A_59 : memref<10000x128xf32, #tpu.memory_space<hbm>>) target(%arg14 : memref<80x128xf32, #tpu.memory_space<vmem>>) offsets(%dma_start3A_56 : memref<80xi32, #tpu.memory_space<vmem>>) semaphore(%arg18 : memref<!tpu.dma_semaphore, #tpu.memory_space<semaphore_mem>>)
    %add3A_60 = arith.constant 2 : i32
    %add3A_61 = arith.addi %mul3A_2, %add3A_60 : i32
    %dma_start3A_62 = arith.constant 0 : i32
    %dma_start3A_63 = tpu.memref_slice %arg4[%add3A_61, %dma_start3A_62] : memref<4000x80xi32, #tpu.memory_space<hbm>> -> memref<1x80xi32, #tpu.memory_space<hbm>>
    %dma_start3A_64 = tpu.memref_squeeze %dma_start3A_63 : memref<1x80xi32, #tpu.memory_space<hbm>> -> memref<80xi32, #tpu.memory_space<hbm>>
    %dma_start3A_65 = arith.constant 0 : i32
    %dma_start3A_66 = tpu.memref_slice %arg4[%add3A_61, %dma_start3A_65] : memref<4000x80xi32, #tpu.memory_space<hbm>> -> memref<1x80xi32, #tpu.memory_space<hbm>>
    %dma_start3A_67 = tpu.memref_squeeze %dma_start3A_66 : memref<1x80xi32, #tpu.memory_space<hbm>> -> memref<80xi32, #tpu.memory_space<hbm>>
    tpu.enqueue_dma source(%dma_start3A_67 : memref<80xi32, #tpu.memory_space<hbm>>) target(%arg11 : memref<80xi32, #tpu.memory_space<vmem>>) target_semaphore(%arg21 : memref<!tpu.dma_semaphore, #tpu.memory_space<semaphore_mem>>)
    %dma_wait3A_68 = arith.constant 80 : i32
    %dma_wait3A_69 = tpu.memref_slice %arg8[%dma_wait3A_68] : memref<10000xi32, #tpu.memory_space<vmem>> -> memref<80xi32, #tpu.memory_space<vmem>>
    %dma_wait3A_70 = arith.constant 0 : i32
    %dma_wait3A_71 = arith.constant 0 : i32
    %dma_wait3A_72 = tpu.memref_slice %arg2[%dma_wait3A_70, %dma_wait3A_71] : memref<10000x128xf32, #tpu.memory_space<hbm>> -> memref<10000x128xf32, #tpu.memory_space<hbm>>
    tpu.wait_indirect_dma semaphore(%arg17 : memref<!tpu.dma_semaphore, #tpu.memory_space<semaphore_mem>>) src(%dma_wait3A_72 : memref<10000x128xf32, #tpu.memory_space<hbm>>) dst(%arg13 : memref<80x128xf32, #tpu.memory_space<vmem>>)
    %add3A_73 = arith.constant 1 : i32
    %add3A_74 = arith.addi %mul3A_2, %add3A_73 : i32
    %dma_wait3A_75 = arith.constant 0 : i32
    %dma_wait3A_76 = tpu.memref_slice %arg4[%add3A_74, %dma_wait3A_75] : memref<4000x80xi32, #tpu.memory_space<hbm>> -> memref<1x80xi32, #tpu.memory_space<hbm>>
    %dma_wait3A_77 = tpu.memref_squeeze %dma_wait3A_76 : memref<1x80xi32, #tpu.memory_space<hbm>> -> memref<80xi32, #tpu.memory_space<hbm>>
    %dma_wait3A_78 = arith.constant 0 : i32
    %dma_wait3A_79 = tpu.memref_slice %arg4[%add3A_74, %dma_wait3A_78] : memref<4000x80xi32, #tpu.memory_space<hbm>> -> memref<1x80xi32, #tpu.memory_space<hbm>>
    %dma_wait3A_80 = tpu.memref_squeeze %dma_wait3A_79 : memref<1x80xi32, #tpu.memory_space<hbm>> -> memref<80xi32, #tpu.memory_space<hbm>>
    tpu.wait_dma2 semaphore(%arg20 : memref<!tpu.dma_semaphore, #tpu.memory_space<semaphore_mem>>) src(%dma_wait3A_80 : memref<80xi32, #tpu.memory_space<hbm>>) dst(%arg10 : memref<80xi32, #tpu.memory_space<vmem>>)
    %dma_start3A_81 = arith.constant 0 : i32
    %dma_start3A_82 = arith.constant 0 : i32
    %dma_start3A_83 = tpu.memref_slice %arg15[%dma_start3A_81, %dma_start3A_82] : memref<10240x128xf32, #tpu.memory_space<vmem_shared>> -> memref<10240x128xf32, #tpu.memory_space<vmem_shared>>
    tpu.enqueue_indirect_dma source(%arg13 : memref<80x128xf32, #tpu.memory_space<vmem>>) target(%dma_start3A_83 : memref<10240x128xf32, #tpu.memory_space<vmem_shared>>) offsets(%arg10 : memref<80xi32, #tpu.memory_space<vmem>>) semaphore(%arg23 : memref<!tpu.dma_semaphore, #tpu.memory_space<semaphore_mem>>) {add = true}
    %dma_wait3A_84 = arith.constant 0 : i32
    %dma_wait3A_85 = arith.constant 0 : i32
    %dma_wait3A_86 = tpu.memref_slice %arg15[%dma_wait3A_84, %dma_wait3A_85] : memref<10240x128xf32, #tpu.memory_space<vmem_shared>> -> memref<10240x128xf32, #tpu.memory_space<vmem_shared>>
    tpu.wait_indirect_dma semaphore(%arg22 : memref<!tpu.dma_semaphore, #tpu.memory_space<semaphore_mem>>) src(%arg12 : memref<80x128xf32, #tpu.memory_space<vmem>>) dst(%dma_wait3A_86 : memref<10240x128xf32, #tpu.memory_space<vmem_shared>>)
    %dma_start3A_87 = arith.constant 240 : i32
    %dma_start3A_88 = tpu.memref_slice %arg8[%dma_start3A_87] : memref<10000xi32, #tpu.memory_space<vmem>> -> memref<80xi32, #tpu.memory_space<vmem>>
    %dma_start3A_89 = arith.constant 0 : i32
    %dma_start3A_90 = arith.constant 0 : i32
    %dma_start3A_91 = tpu.memref_slice %arg2[%dma_start3A_89, %dma_start3A_90] : memref<10000x128xf32, #tpu.memory_space<hbm>> -> memref<10000x128xf32, #tpu.memory_space<hbm>>
    tpu.enqueue_indirect_dma source(%dma_start3A_91 : memref<10000x128xf32, #tpu.memory_space<hbm>>) target(%arg12 : memref<80x128xf32, #tpu.memory_space<vmem>>) offsets(%dma_start3A_88 : memref<80xi32, #tpu.memory_space<vmem>>) semaphore(%arg16 : memref<!tpu.dma_semaphore, #tpu.memory_space<semaphore_mem>>)
    %add3A_92 = arith.constant 3 : i32
    %add3A_93 = arith.addi %mul3A_2, %add3A_92 : i32
    %dma_start3A_94 = arith.constant 0 : i32
    %dma_start3A_95 = tpu.memref_slice %arg4[%add3A_93, %dma_start3A_94] : memref<4000x80xi32, #tpu.memory_space<hbm>> -> memref<1x80xi32, #tpu.memory_space<hbm>>
    %dma_start3A_96 = tpu.memref_squeeze %dma_start3A_95 : memref<1x80xi32, #tpu.memory_space<hbm>> -> memref<80xi32, #tpu.memory_space<hbm>>
    %dma_start3A_97 = arith.constant 0 : i32
    %dma_start3A_98 = tpu.memref_slice %arg4[%add3A_93, %dma_start3A_97] : memref<4000x80xi32, #tpu.memory_space<hbm>> -> memref<1x80xi32, #tpu.memory_space<hbm>>
    %dma_start3A_99 = tpu.memref_squeeze %dma_start3A_98 : memref<1x80xi32, #tpu.memory_space<hbm>> -> memref<80xi32, #tpu.memory_space<hbm>>
    tpu.enqueue_dma source(%dma_start3A_99 : memref<80xi32, #tpu.memory_space<hbm>>) target(%arg9 : memref<80xi32, #tpu.memory_space<vmem>>) target_semaphore(%arg19 : memref<!tpu.dma_semaphore, #tpu.memory_space<semaphore_mem>>)
    %dma_wait3A_100 = arith.constant 160 : i32
    %dma_wait3A_101 = tpu.memref_slice %arg8[%dma_wait3A_100] : memref<10000xi32, #tpu.memory_space<vmem>> -> memref<80xi32, #tpu.memory_space<vmem>>
    %dma_wait3A_102 = arith.constant 0 : i32
    %dma_wait3A_103 = arith.constant 0 : i32
    %dma_wait3A_104 = tpu.memref_slice %arg2[%dma_wait3A_102, %dma_wait3A_103] : memref<10000x128xf32, #tpu.memory_space<hbm>> -> memref<10000x128xf32, #tpu.memory_space<hbm>>
    tpu.wait_indirect_dma semaphore(%arg18 : memref<!tpu.dma_semaphore, #tpu.memory_space<semaphore_mem>>) src(%dma_wait3A_104 : memref<10000x128xf32, #tpu.memory_space<hbm>>) dst(%arg14 : memref<80x128xf32, #tpu.memory_space<vmem>>)
    %add3A_105 = arith.constant 2 : i32
    %add3A_106 = arith.addi %mul3A_2, %add3A_105 : i32
    %dma_wait3A_107 = arith.constant 0 : i32
    %dma_wait3A_108 = tpu.memref_slice %arg4[%add3A_106, %dma_wait3A_107] : memref<4000x80xi32, #tpu.memory_space<hbm>> -> memref<1x80xi32, #tpu.memory_space<hbm>>
    %dma_wait3A_109 = tpu.memref_squeeze %dma_wait3A_108 : memref<1x80xi32, #tpu.memory_space<hbm>> -> memref<80xi32, #tpu.memory_space<hbm>>
    %dma_wait3A_110 = arith.constant 0 : i32
    %dma_wait3A_111 = tpu.memref_slice %arg4[%add3A_106, %dma_wait3A_110] : memref<4000x80xi32, #tpu.memory_space<hbm>> -> memref<1x80xi32, #tpu.memory_space<hbm>>
    %dma_wait3A_112 = tpu.memref_squeeze %dma_wait3A_111 : memref<1x80xi32, #tpu.memory_space<hbm>> -> memref<80xi32, #tpu.memory_space<hbm>>
    tpu.wait_dma2 semaphore(%arg21 : memref<!tpu.dma_semaphore, #tpu.memory_space<semaphore_mem>>) src(%dma_wait3A_112 : memref<80xi32, #tpu.memory_space<hbm>>) dst(%arg11 : memref<80xi32, #tpu.memory_space<vmem>>)
    %dma_start3A_113 = arith.constant 0 : i32
    %dma_start3A_114 = arith.constant 0 : i32
    %dma_start3A_115 = tpu.memref_slice %arg15[%dma_start3A_113, %dma_start3A_114] : memref<10240x128xf32, #tpu.memory_space<vmem_shared>> -> memref<10240x128xf32, #tpu.memory_space<vmem_shared>>
    tpu.enqueue_indirect_dma source(%arg14 : memref<80x128xf32, #tpu.memory_space<vmem>>) target(%dma_start3A_115 : memref<10240x128xf32, #tpu.memory_space<vmem_shared>>) offsets(%arg11 : memref<80xi32, #tpu.memory_space<vmem>>) semaphore(%arg24 : memref<!tpu.dma_semaphore, #tpu.memory_space<semaphore_mem>>) {add = true}
    %dma_wait3A_116 = arith.constant 0 : i32
    %dma_wait3A_117 = arith.constant 0 : i32
    %dma_wait3A_118 = tpu.memref_slice %arg15[%dma_wait3A_116, %dma_wait3A_117] : memref<10240x128xf32, #tpu.memory_space<vmem_shared>> -> memref<10240x128xf32, #tpu.memory_space<vmem_shared>>
    tpu.wait_indirect_dma semaphore(%arg23 : memref<!tpu.dma_semaphore, #tpu.memory_space<semaphore_mem>>) src(%arg13 : memref<80x128xf32, #tpu.memory_space<vmem>>) dst(%dma_wait3A_118 : memref<10240x128xf32, #tpu.memory_space<vmem_shared>>)
    %dma_start3A_119 = arith.constant 320 : i32
    %dma_start3A_120 = tpu.memref_slice %arg8[%dma_start3A_119] : memref<10000xi32, #tpu.memory_space<vmem>> -> memref<80xi32, #tpu.memory_space<vmem>>
    %dma_start3A_121 = arith.constant 0 : i32
    %dma_start3A_122 = arith.constant 0 : i32
    %dma_start3A_123 = tpu.memref_slice %arg2[%dma_start3A_121, %dma_start3A_122] : memref<10000x128xf32, #tpu.memory_space<hbm>> -> memref<10000x128xf32, #tpu.memory_space<hbm>>
    tpu.enqueue_indirect_dma source(%dma_start3A_123 : memref<10000x128xf32, #tpu.memory_space<hbm>>) target(%arg13 : memref<80x128xf32, #tpu.memory_space<vmem>>) offsets(%dma_start3A_120 : memref<80xi32, #tpu.memory_space<vmem>>) semaphore(%arg17 : memref<!tpu.dma_semaphore, #tpu.memory_space<semaphore_mem>>)
    %add3A_124 = arith.constant 4 : i32
    %add3A_125 = arith.addi %mul3A_2, %add3A_124 : i32
    %dma_start3A_126 = arith.constant 0 : i32
    %dma_start3A_127 = tpu.memref_slice %arg4[%add3A_125, %dma_start3A_126] : memref<4000x80xi32, #tpu.memory_space<hbm>> -> memref<1x80xi32, #tpu.memory_space<hbm>>
    %dma_start3A_128 = tpu.memref_squeeze %dma_start3A_127 : memref<1x80xi32, #tpu.memory_space<hbm>> -> memref<80xi32, #tpu.memory_space<hbm>>
    %dma_start3A_129 = arith.constant 0 : i32
    %dma_start3A_130 = tpu.memref_slice %arg4[%add3A_125, %dma_start3A_129] : memref<4000x80xi32, #tpu.memory_space<hbm>> -> memref<1x80xi32, #tpu.memory_space<hbm>>
    %dma_start3A_131 = tpu.memref_squeeze %dma_start3A_130 : memref<1x80xi32, #tpu.memory_space<hbm>> -> memref<80xi32, #tpu.memory_space<hbm>>
    tpu.enqueue_dma source(%dma_start3A_131 : memref<80xi32, #tpu.memory_space<hbm>>) target(%arg10 : memref<80xi32, #tpu.memory_space<vmem>>) target_semaphore(%arg20 : memref<!tpu.dma_semaphore, #tpu.memory_space<semaphore_mem>>)
    %scan3A = arith.constant 0 : i32
    %scan3A_132 = arith.constant 0 : i32
    %scan3A_133 = arith.constant 40 : i32
    %scan3A_134 = arith.addi %scan3A_132, %scan3A_133 : i32
    %scan3A_135 = arith.constant 1 : i32
    scf.for %scan3A_186 = %scan3A_132 to %scan3A_134 step %scan3A_135  : i32 {
      %mul3A_187 = arith.constant 3 : i32
      %mul3A_188 = arith.muli %mul3A_187, %scan3A_186 : i32
      %add3A_189 = arith.constant 3 : i32
      %add3A_190 = arith.addi %mul3A_188, %add3A_189 : i32
      %mul3A_191 = arith.constant 80 : i32
      %mul3A_192 = arith.muli %add3A_190, %mul3A_191 : i32
      %dma_wait3A_193 = tpu.memref_slice %arg8[%mul3A_192] : memref<10000xi32, #tpu.memory_space<vmem>> -> memref<80xi32, #tpu.memory_space<vmem>>
      %dma_wait3A_194 = arith.constant 0 : i32
      %dma_wait3A_195 = arith.constant 0 : i32
      %dma_wait3A_196 = tpu.memref_slice %arg2[%dma_wait3A_194, %dma_wait3A_195] : memref<10000x128xf32, #tpu.memory_space<hbm>> -> memref<10000x128xf32, #tpu.memory_space<hbm>>
      tpu.wait_indirect_dma semaphore(%arg16 : memref<!tpu.dma_semaphore, #tpu.memory_space<semaphore_mem>>) src(%dma_wait3A_196 : memref<10000x128xf32, #tpu.memory_space<hbm>>) dst(%arg12 : memref<80x128xf32, #tpu.memory_space<vmem>>)
      %add3A_197 = arith.addi %mul3A_2, %add3A_190 : i32
      %dma_wait3A_198 = arith.constant 0 : i32
      %dma_wait3A_199 = tpu.memref_slice %arg4[%add3A_197, %dma_wait3A_198] : memref<4000x80xi32, #tpu.memory_space<hbm>> -> memref<1x80xi32, #tpu.memory_space<hbm>>
      %dma_wait3A_200 = tpu.memref_squeeze %dma_wait3A_199 : memref<1x80xi32, #tpu.memory_space<hbm>> -> memref<80xi32, #tpu.memory_space<hbm>>
      %dma_wait3A_201 = arith.constant 0 : i32
      %dma_wait3A_202 = tpu.memref_slice %arg4[%add3A_197, %dma_wait3A_201] : memref<4000x80xi32, #tpu.memory_space<hbm>> -> memref<1x80xi32, #tpu.memory_space<hbm>>
      %dma_wait3A_203 = tpu.memref_squeeze %dma_wait3A_202 : memref<1x80xi32, #tpu.memory_space<hbm>> -> memref<80xi32, #tpu.memory_space<hbm>>
      tpu.wait_dma2 semaphore(%arg19 : memref<!tpu.dma_semaphore, #tpu.memory_space<semaphore_mem>>) src(%dma_wait3A_203 : memref<80xi32, #tpu.memory_space<hbm>>) dst(%arg9 : memref<80xi32, #tpu.memory_space<vmem>>)
      %dma_start3A_204 = arith.constant 0 : i32
      %dma_start3A_205 = arith.constant 0 : i32
      %dma_start3A_206 = tpu.memref_slice %arg15[%dma_start3A_204, %dma_start3A_205] : memref<10240x128xf32, #tpu.memory_space<vmem_shared>> -> memref<10240x128xf32, #tpu.memory_space<vmem_shared>>
      tpu.enqueue_indirect_dma source(%arg12 : memref<80x128xf32, #tpu.memory_space<vmem>>) target(%dma_start3A_206 : memref<10240x128xf32, #tpu.memory_space<vmem_shared>>) offsets(%arg9 : memref<80xi32, #tpu.memory_space<vmem>>) semaphore(%arg22 : memref<!tpu.dma_semaphore, #tpu.memory_space<semaphore_mem>>) {add = true}
      %dma_wait3A_207 = arith.constant 0 : i32
      %dma_wait3A_208 = arith.constant 0 : i32
      %dma_wait3A_209 = tpu.memref_slice %arg15[%dma_wait3A_207, %dma_wait3A_208] : memref<10240x128xf32, #tpu.memory_space<vmem_shared>> -> memref<10240x128xf32, #tpu.memory_space<vmem_shared>>
      tpu.wait_indirect_dma semaphore(%arg24 : memref<!tpu.dma_semaphore, #tpu.memory_space<semaphore_mem>>) src(%arg14 : memref<80x128xf32, #tpu.memory_space<vmem>>) dst(%dma_wait3A_209 : memref<10240x128xf32, #tpu.memory_space<vmem_shared>>)
      %add3A_210 = arith.constant 2 : i32
      %add3A_211 = arith.addi %add3A_190, %add3A_210 : i32
      %mul3A_212 = arith.constant 80 : i32
      %mul3A_213 = arith.muli %add3A_211, %mul3A_212 : i32
      %dma_start3A_214 = tpu.memref_slice %arg8[%mul3A_213] : memref<10000xi32, #tpu.memory_space<vmem>> -> memref<80xi32, #tpu.memory_space<vmem>>
      %dma_start3A_215 = arith.constant 0 : i32
      %dma_start3A_216 = arith.constant 0 : i32
      %dma_start3A_217 = tpu.memref_slice %arg2[%dma_start3A_215, %dma_start3A_216] : memref<10000x128xf32, #tpu.memory_space<hbm>> -> memref<10000x128xf32, #tpu.memory_space<hbm>>
      tpu.enqueue_indirect_dma source(%dma_start3A_217 : memref<10000x128xf32, #tpu.memory_space<hbm>>) target(%arg14 : memref<80x128xf32, #tpu.memory_space<vmem>>) offsets(%dma_start3A_214 : memref<80xi32, #tpu.memory_space<vmem>>) semaphore(%arg18 : memref<!tpu.dma_semaphore, #tpu.memory_space<semaphore_mem>>)
      %add3A_218 = arith.constant 2 : i32
      %add3A_219 = arith.addi %add3A_190, %add3A_218 : i32
      %add3A_220 = arith.addi %mul3A_2, %add3A_219 : i32
      %dma_start3A_221 = arith.constant 0 : i32
      %dma_start3A_222 = tpu.memref_slice %arg4[%add3A_220, %dma_start3A_221] : memref<4000x80xi32, #tpu.memory_space<hbm>> -> memref<1x80xi32, #tpu.memory_space<hbm>>
      %dma_start3A_223 = tpu.memref_squeeze %dma_start3A_222 : memref<1x80xi32, #tpu.memory_space<hbm>> -> memref<80xi32, #tpu.memory_space<hbm>>
      %dma_start3A_224 = arith.constant 0 : i32
      %dma_start3A_225 = tpu.memref_slice %arg4[%add3A_220, %dma_start3A_224] : memref<4000x80xi32, #tpu.memory_space<hbm>> -> memref<1x80xi32, #tpu.memory_space<hbm>>
      %dma_start3A_226 = tpu.memref_squeeze %dma_start3A_225 : memref<1x80xi32, #tpu.memory_space<hbm>> -> memref<80xi32, #tpu.memory_space<hbm>>
      tpu.enqueue_dma source(%dma_start3A_226 : memref<80xi32, #tpu.memory_space<hbm>>) target(%arg11 : memref<80xi32, #tpu.memory_space<vmem>>) target_semaphore(%arg21 : memref<!tpu.dma_semaphore, #tpu.memory_space<semaphore_mem>>)
      %add3A_227 = arith.constant 1 : i32
      %add3A_228 = arith.addi %add3A_190, %add3A_227 : i32
      %mul3A_229 = arith.constant 80 : i32
      %mul3A_230 = arith.muli %add3A_228, %mul3A_229 : i32
      %dma_wait3A_231 = tpu.memref_slice %arg8[%mul3A_230] : memref<10000xi32, #tpu.memory_space<vmem>> -> memref<80xi32, #tpu.memory_space<vmem>>
      %dma_wait3A_232 = arith.constant 0 : i32
      %dma_wait3A_233 = arith.constant 0 : i32
      %dma_wait3A_234 = tpu.memref_slice %arg2[%dma_wait3A_232, %dma_wait3A_233] : memref<10000x128xf32, #tpu.memory_space<hbm>> -> memref<10000x128xf32, #tpu.memory_space<hbm>>
      tpu.wait_indirect_dma semaphore(%arg17 : memref<!tpu.dma_semaphore, #tpu.memory_space<semaphore_mem>>) src(%dma_wait3A_234 : memref<10000x128xf32, #tpu.memory_space<hbm>>) dst(%arg13 : memref<80x128xf32, #tpu.memory_space<vmem>>)
      %add3A_235 = arith.addi %mul3A_2, %add3A_228 : i32
      %dma_wait3A_236 = arith.constant 0 : i32
      %dma_wait3A_237 = tpu.memref_slice %arg4[%add3A_235, %dma_wait3A_236] : memref<4000x80xi32, #tpu.memory_space<hbm>> -> memref<1x80xi32, #tpu.memory_space<hbm>>
      %dma_wait3A_238 = tpu.memref_squeeze %dma_wait3A_237 : memref<1x80xi32, #tpu.memory_space<hbm>> -> memref<80xi32, #tpu.memory_space<hbm>>
      %dma_wait3A_239 = arith.constant 0 : i32
      %dma_wait3A_240 = tpu.memref_slice %arg4[%add3A_235, %dma_wait3A_239] : memref<4000x80xi32, #tpu.memory_space<hbm>> -> memref<1x80xi32, #tpu.memory_space<hbm>>
      %dma_wait3A_241 = tpu.memref_squeeze %dma_wait3A_240 : memref<1x80xi32, #tpu.memory_space<hbm>> -> memref<80xi32, #tpu.memory_space<hbm>>
      tpu.wait_dma2 semaphore(%arg20 : memref<!tpu.dma_semaphore, #tpu.memory_space<semaphore_mem>>) src(%dma_wait3A_241 : memref<80xi32, #tpu.memory_space<hbm>>) dst(%arg10 : memref<80xi32, #tpu.memory_space<vmem>>)
      %dma_start3A_242 = arith.constant 0 : i32
      %dma_start3A_243 = arith.constant 0 : i32
      %dma_start3A_244 = tpu.memref_slice %arg15[%dma_start3A_242, %dma_start3A_243] : memref<10240x128xf32, #tpu.memory_space<vmem_shared>> -> memref<10240x128xf32, #tpu.memory_space<vmem_shared>>
      tpu.enqueue_indirect_dma source(%arg13 : memref<80x128xf32, #tpu.memory_space<vmem>>) target(%dma_start3A_244 : memref<10240x128xf32, #tpu.memory_space<vmem_shared>>) offsets(%arg10 : memref<80xi32, #tpu.memory_space<vmem>>) semaphore(%arg23 : memref<!tpu.dma_semaphore, #tpu.memory_space<semaphore_mem>>) {add = true}
      %dma_wait3A_245 = arith.constant 0 : i32
      %dma_wait3A_246 = arith.constant 0 : i32
      %dma_wait3A_247 = tpu.memref_slice %arg15[%dma_wait3A_245, %dma_wait3A_246] : memref<10240x128xf32, #tpu.memory_space<vmem_shared>> -> memref<10240x128xf32, #tpu.memory_space<vmem_shared>>
      tpu.wait_indirect_dma semaphore(%arg22 : memref<!tpu.dma_semaphore, #tpu.memory_space<semaphore_mem>>) src(%arg12 : memref<80x128xf32, #tpu.memory_space<vmem>>) dst(%dma_wait3A_247 : memref<10240x128xf32, #tpu.memory_space<vmem_shared>>)
      %add3A_248 = arith.constant 2 : i32
      %add3A_249 = arith.addi %add3A_228, %add3A_248 : i32
      %mul3A_250 = arith.constant 80 : i32
      %mul3A_251 = arith.muli %add3A_249, %mul3A_250 : i32
      %dma_start3A_252 = tpu.memref_slice %arg8[%mul3A_251] : memref<10000xi32, #tpu.memory_space<vmem>> -> memref<80xi32, #tpu.memory_space<vmem>>
      %dma_start3A_253 = arith.constant 0 : i32
      %dma_start3A_254 = arith.constant 0 : i32
      %dma_start3A_255 = tpu.memref_slice %arg2[%dma_start3A_253, %dma_start3A_254] : memref<10000x128xf32, #tpu.memory_space<hbm>> -> memref<10000x128xf32, #tpu.memory_space<hbm>>
      tpu.enqueue_indirect_dma source(%dma_start3A_255 : memref<10000x128xf32, #tpu.memory_space<hbm>>) target(%arg12 : memref<80x128xf32, #tpu.memory_space<vmem>>) offsets(%dma_start3A_252 : memref<80xi32, #tpu.memory_space<vmem>>) semaphore(%arg16 : memref<!tpu.dma_semaphore, #tpu.memory_space<semaphore_mem>>)
      %add3A_256 = arith.constant 2 : i32
      %add3A_257 = arith.addi %add3A_228, %add3A_256 : i32
      %add3A_258 = arith.addi %mul3A_2, %add3A_257 : i32
      %dma_start3A_259 = arith.constant 0 : i32
      %dma_start3A_260 = tpu.memref_slice %arg4[%add3A_258, %dma_start3A_259] : memref<4000x80xi32, #tpu.memory_space<hbm>> -> memref<1x80xi32, #tpu.memory_space<hbm>>
      %dma_start3A_261 = tpu.memref_squeeze %dma_start3A_260 : memref<1x80xi32, #tpu.memory_space<hbm>> -> memref<80xi32, #tpu.memory_space<hbm>>
      %dma_start3A_262 = arith.constant 0 : i32
      %dma_start3A_263 = tpu.memref_slice %arg4[%add3A_258, %dma_start3A_262] : memref<4000x80xi32, #tpu.memory_space<hbm>> -> memref<1x80xi32, #tpu.memory_space<hbm>>
      %dma_start3A_264 = tpu.memref_squeeze %dma_start3A_263 : memref<1x80xi32, #tpu.memory_space<hbm>> -> memref<80xi32, #tpu.memory_space<hbm>>
      tpu.enqueue_dma source(%dma_start3A_264 : memref<80xi32, #tpu.memory_space<hbm>>) target(%arg9 : memref<80xi32, #tpu.memory_space<vmem>>) target_semaphore(%arg19 : memref<!tpu.dma_semaphore, #tpu.memory_space<semaphore_mem>>)
      %add3A_265 = arith.constant 2 : i32
      %add3A_266 = arith.addi %add3A_190, %add3A_265 : i32
      %mul3A_267 = arith.constant 80 : i32
      %mul3A_268 = arith.muli %add3A_266, %mul3A_267 : i32
      %dma_wait3A_269 = tpu.memref_slice %arg8[%mul3A_268] : memref<10000xi32, #tpu.memory_space<vmem>> -> memref<80xi32, #tpu.memory_space<vmem>>
      %dma_wait3A_270 = arith.constant 0 : i32
      %dma_wait3A_271 = arith.constant 0 : i32
      %dma_wait3A_272 = tpu.memref_slice %arg2[%dma_wait3A_270, %dma_wait3A_271] : memref<10000x128xf32, #tpu.memory_space<hbm>> -> memref<10000x128xf32, #tpu.memory_space<hbm>>
      tpu.wait_indirect_dma semaphore(%arg18 : memref<!tpu.dma_semaphore, #tpu.memory_space<semaphore_mem>>) src(%dma_wait3A_272 : memref<10000x128xf32, #tpu.memory_space<hbm>>) dst(%arg14 : memref<80x128xf32, #tpu.memory_space<vmem>>)
      %add3A_273 = arith.addi %mul3A_2, %add3A_266 : i32
      %dma_wait3A_274 = arith.constant 0 : i32
      %dma_wait3A_275 = tpu.memref_slice %arg4[%add3A_273, %dma_wait3A_274] : memref<4000x80xi32, #tpu.memory_space<hbm>> -> memref<1x80xi32, #tpu.memory_space<hbm>>
      %dma_wait3A_276 = tpu.memref_squeeze %dma_wait3A_275 : memref<1x80xi32, #tpu.memory_space<hbm>> -> memref<80xi32, #tpu.memory_space<hbm>>
      %dma_wait3A_277 = arith.constant 0 : i32
      %dma_wait3A_278 = tpu.memref_slice %arg4[%add3A_273, %dma_wait3A_277] : memref<4000x80xi32, #tpu.memory_space<hbm>> -> memref<1x80xi32, #tpu.memory_space<hbm>>
      %dma_wait3A_279 = tpu.memref_squeeze %dma_wait3A_278 : memref<1x80xi32, #tpu.memory_space<hbm>> -> memref<80xi32, #tpu.memory_space<hbm>>
      tpu.wait_dma2 semaphore(%arg21 : memref<!tpu.dma_semaphore, #tpu.memory_space<semaphore_mem>>) src(%dma_wait3A_279 : memref<80xi32, #tpu.memory_space<hbm>>) dst(%arg11 : memref<80xi32, #tpu.memory_space<vmem>>)
      %dma_start3A_280 = arith.constant 0 : i32
      %dma_start3A_281 = arith.constant 0 : i32
      %dma_start3A_282 = tpu.memref_slice %arg15[%dma_start3A_280, %dma_start3A_281] : memref<10240x128xf32, #tpu.memory_space<vmem_shared>> -> memref<10240x128xf32, #tpu.memory_space<vmem_shared>>
      tpu.enqueue_indirect_dma source(%arg14 : memref<80x128xf32, #tpu.memory_space<vmem>>) target(%dma_start3A_282 : memref<10240x128xf32, #tpu.memory_space<vmem_shared>>) offsets(%arg11 : memref<80xi32, #tpu.memory_space<vmem>>) semaphore(%arg24 : memref<!tpu.dma_semaphore, #tpu.memory_space<semaphore_mem>>) {add = true}
      %dma_wait3A_283 = arith.constant 0 : i32
      %dma_wait3A_284 = arith.constant 0 : i32
      %dma_wait3A_285 = tpu.memref_slice %arg15[%dma_wait3A_283, %dma_wait3A_284] : memref<10240x128xf32, #tpu.memory_space<vmem_shared>> -> memref<10240x128xf32, #tpu.memory_space<vmem_shared>>
      tpu.wait_indirect_dma semaphore(%arg23 : memref<!tpu.dma_semaphore, #tpu.memory_space<semaphore_mem>>) src(%arg13 : memref<80x128xf32, #tpu.memory_space<vmem>>) dst(%dma_wait3A_285 : memref<10240x128xf32, #tpu.memory_space<vmem_shared>>)
      %add3A_286 = arith.constant 2 : i32
      %add3A_287 = arith.addi %add3A_266, %add3A_286 : i32
      %mul3A_288 = arith.constant 80 : i32
      %mul3A_289 = arith.muli %add3A_287, %mul3A_288 : i32
      %dma_start3A_290 = tpu.memref_slice %arg8[%mul3A_289] : memref<10000xi32, #tpu.memory_space<vmem>> -> memref<80xi32, #tpu.memory_space<vmem>>
      %dma_start3A_291 = arith.constant 0 : i32
      %dma_start3A_292 = arith.constant 0 : i32
      %dma_start3A_293 = tpu.memref_slice %arg2[%dma_start3A_291, %dma_start3A_292] : memref<10000x128xf32, #tpu.memory_space<hbm>> -> memref<10000x128xf32, #tpu.memory_space<hbm>>
      tpu.enqueue_indirect_dma source(%dma_start3A_293 : memref<10000x128xf32, #tpu.memory_space<hbm>>) target(%arg13 : memref<80x128xf32, #tpu.memory_space<vmem>>) offsets(%dma_start3A_290 : memref<80xi32, #tpu.memory_space<vmem>>) semaphore(%arg17 : memref<!tpu.dma_semaphore, #tpu.memory_space<semaphore_mem>>)
      %add3A_294 = arith.constant 2 : i32
      %add3A_295 = arith.addi %add3A_266, %add3A_294 : i32
      %add3A_296 = arith.addi %mul3A_2, %add3A_295 : i32
      %dma_start3A_297 = arith.constant 0 : i32
      %dma_start3A_298 = tpu.memref_slice %arg4[%add3A_296, %dma_start3A_297] : memref<4000x80xi32, #tpu.memory_space<hbm>> -> memref<1x80xi32, #tpu.memory_space<hbm>>
      %dma_start3A_299 = tpu.memref_squeeze %dma_start3A_298 : memref<1x80xi32, #tpu.memory_space<hbm>> -> memref<80xi32, #tpu.memory_space<hbm>>
      %dma_start3A_300 = arith.constant 0 : i32
      %dma_start3A_301 = tpu.memref_slice %arg4[%add3A_296, %dma_start3A_300] : memref<4000x80xi32, #tpu.memory_space<hbm>> -> memref<1x80xi32, #tpu.memory_space<hbm>>
      %dma_start3A_302 = tpu.memref_squeeze %dma_start3A_301 : memref<1x80xi32, #tpu.memory_space<hbm>> -> memref<80xi32, #tpu.memory_space<hbm>>
      tpu.enqueue_dma source(%dma_start3A_302 : memref<80xi32, #tpu.memory_space<hbm>>) target(%arg10 : memref<80xi32, #tpu.memory_space<vmem>>) target_semaphore(%arg20 : memref<!tpu.dma_semaphore, #tpu.memory_space<semaphore_mem>>)
    }
    %scan3A_136 = arith.constant 40 : i32
    %dma_wait3A_137 = arith.constant 9840 : i32
    %dma_wait3A_138 = tpu.memref_slice %arg8[%dma_wait3A_137] : memref<10000xi32, #tpu.memory_space<vmem>> -> memref<80xi32, #tpu.memory_space<vmem>>
    %dma_wait3A_139 = arith.constant 0 : i32
    %dma_wait3A_140 = arith.constant 0 : i32
    %dma_wait3A_141 = tpu.memref_slice %arg2[%dma_wait3A_139, %dma_wait3A_140] : memref<10000x128xf32, #tpu.memory_space<hbm>> -> memref<10000x128xf32, #tpu.memory_space<hbm>>
    tpu.wait_indirect_dma semaphore(%arg16 : memref<!tpu.dma_semaphore, #tpu.memory_space<semaphore_mem>>) src(%dma_wait3A_141 : memref<10000x128xf32, #tpu.memory_space<hbm>>) dst(%arg12 : memref<80x128xf32, #tpu.memory_space<vmem>>)
    %add3A_142 = arith.constant 123 : i32
    %add3A_143 = arith.addi %mul3A_2, %add3A_142 : i32
    %dma_wait3A_144 = arith.constant 0 : i32
    %dma_wait3A_145 = tpu.memref_slice %arg4[%add3A_143, %dma_wait3A_144] : memref<4000x80xi32, #tpu.memory_space<hbm>> -> memref<1x80xi32, #tpu.memory_space<hbm>>
    %dma_wait3A_146 = tpu.memref_squeeze %dma_wait3A_145 : memref<1x80xi32, #tpu.memory_space<hbm>> -> memref<80xi32, #tpu.memory_space<hbm>>
    %dma_wait3A_147 = arith.constant 0 : i32
    %dma_wait3A_148 = tpu.memref_slice %arg4[%add3A_143, %dma_wait3A_147] : memref<4000x80xi32, #tpu.memory_space<hbm>> -> memref<1x80xi32, #tpu.memory_space<hbm>>
    %dma_wait3A_149 = tpu.memref_squeeze %dma_wait3A_148 : memref<1x80xi32, #tpu.memory_space<hbm>> -> memref<80xi32, #tpu.memory_space<hbm>>
    tpu.wait_dma2 semaphore(%arg19 : memref<!tpu.dma_semaphore, #tpu.memory_space<semaphore_mem>>) src(%dma_wait3A_149 : memref<80xi32, #tpu.memory_space<hbm>>) dst(%arg9 : memref<80xi32, #tpu.memory_space<vmem>>)
    %dma_start3A_150 = arith.constant 0 : i32
    %dma_start3A_151 = arith.constant 0 : i32
    %dma_start3A_152 = tpu.memref_slice %arg15[%dma_start3A_150, %dma_start3A_151] : memref<10240x128xf32, #tpu.memory_space<vmem_shared>> -> memref<10240x128xf32, #tpu.memory_space<vmem_shared>>
    tpu.enqueue_indirect_dma source(%arg12 : memref<80x128xf32, #tpu.memory_space<vmem>>) target(%dma_start3A_152 : memref<10240x128xf32, #tpu.memory_space<vmem_shared>>) offsets(%arg9 : memref<80xi32, #tpu.memory_space<vmem>>) semaphore(%arg22 : memref<!tpu.dma_semaphore, #tpu.memory_space<semaphore_mem>>) {add = true}
    %dma_wait3A_153 = arith.constant 0 : i32
    %dma_wait3A_154 = arith.constant 0 : i32
    %dma_wait3A_155 = tpu.memref_slice %arg15[%dma_wait3A_153, %dma_wait3A_154] : memref<10240x128xf32, #tpu.memory_space<vmem_shared>> -> memref<10240x128xf32, #tpu.memory_space<vmem_shared>>
    tpu.wait_indirect_dma semaphore(%arg24 : memref<!tpu.dma_semaphore, #tpu.memory_space<semaphore_mem>>) src(%arg14 : memref<80x128xf32, #tpu.memory_space<vmem>>) dst(%dma_wait3A_155 : memref<10240x128xf32, #tpu.memory_space<vmem_shared>>)
    %dma_wait3A_156 = arith.constant 9920 : i32
    %dma_wait3A_157 = tpu.memref_slice %arg8[%dma_wait3A_156] : memref<10000xi32, #tpu.memory_space<vmem>> -> memref<80xi32, #tpu.memory_space<vmem>>
    %dma_wait3A_158 = arith.constant 0 : i32
    %dma_wait3A_159 = arith.constant 0 : i32
    %dma_wait3A_160 = tpu.memref_slice %arg2[%dma_wait3A_158, %dma_wait3A_159] : memref<10000x128xf32, #tpu.memory_space<hbm>> -> memref<10000x128xf32, #tpu.memory_space<hbm>>
    tpu.wait_indirect_dma semaphore(%arg17 : memref<!tpu.dma_semaphore, #tpu.memory_space<semaphore_mem>>) src(%dma_wait3A_160 : memref<10000x128xf32, #tpu.memory_space<hbm>>) dst(%arg13 : memref<80x128xf32, #tpu.memory_space<vmem>>)
    %add3A_161 = arith.constant 124 : i32
    %add3A_162 = arith.addi %mul3A_2, %add3A_161 : i32
    %dma_wait3A_163 = arith.constant 0 : i32
    %dma_wait3A_164 = tpu.memref_slice %arg4[%add3A_162, %dma_wait3A_163] : memref<4000x80xi32, #tpu.memory_space<hbm>> -> memref<1x80xi32, #tpu.memory_space<hbm>>
    %dma_wait3A_165 = tpu.memref_squeeze %dma_wait3A_164 : memref<1x80xi32, #tpu.memory_space<hbm>> -> memref<80xi32, #tpu.memory_space<hbm>>
    %dma_wait3A_166 = arith.constant 0 : i32
    %dma_wait3A_167 = tpu.memref_slice %arg4[%add3A_162, %dma_wait3A_166] : memref<4000x80xi32, #tpu.memory_space<hbm>> -> memref<1x80xi32, #tpu.memory_space<hbm>>
    %dma_wait3A_168 = tpu.memref_squeeze %dma_wait3A_167 : memref<1x80xi32, #tpu.memory_space<hbm>> -> memref<80xi32, #tpu.memory_space<hbm>>
    tpu.wait_dma2 semaphore(%arg20 : memref<!tpu.dma_semaphore, #tpu.memory_space<semaphore_mem>>) src(%dma_wait3A_168 : memref<80xi32, #tpu.memory_space<hbm>>) dst(%arg10 : memref<80xi32, #tpu.memory_space<vmem>>)
    %dma_start3A_169 = arith.constant 0 : i32
    %dma_start3A_170 = arith.constant 0 : i32
    %dma_start3A_171 = tpu.memref_slice %arg15[%dma_start3A_169, %dma_start3A_170] : memref<10240x128xf32, #tpu.memory_space<vmem_shared>> -> memref<10240x128xf32, #tpu.memory_space<vmem_shared>>
    tpu.enqueue_indirect_dma source(%arg13 : memref<80x128xf32, #tpu.memory_space<vmem>>) target(%dma_start3A_171 : memref<10240x128xf32, #tpu.memory_space<vmem_shared>>) offsets(%arg10 : memref<80xi32, #tpu.memory_space<vmem>>) semaphore(%arg23 : memref<!tpu.dma_semaphore, #tpu.memory_space<semaphore_mem>>) {add = true}
    %dma_wait3A_172 = arith.constant 0 : i32
    %dma_wait3A_173 = arith.constant 0 : i32
    %dma_wait3A_174 = tpu.memref_slice %arg15[%dma_wait3A_172, %dma_wait3A_173] : memref<10240x128xf32, #tpu.memory_space<vmem_shared>> -> memref<10240x128xf32, #tpu.memory_space<vmem_shared>>
    tpu.wait_indirect_dma semaphore(%arg22 : memref<!tpu.dma_semaphore, #tpu.memory_space<semaphore_mem>>) src(%arg12 : memref<80x128xf32, #tpu.memory_space<vmem>>) dst(%dma_wait3A_174 : memref<10240x128xf32, #tpu.memory_space<vmem_shared>>)
    %dma_wait3A_175 = arith.constant 0 : i32
    %dma_wait3A_176 = arith.constant 0 : i32
    %dma_wait3A_177 = tpu.memref_slice %arg15[%dma_wait3A_175, %dma_wait3A_176] : memref<10240x128xf32, #tpu.memory_space<vmem_shared>> -> memref<10240x128xf32, #tpu.memory_space<vmem_shared>>
    tpu.wait_indirect_dma semaphore(%arg23 : memref<!tpu.dma_semaphore, #tpu.memory_space<semaphore_mem>>) src(%arg13 : memref<80x128xf32, #tpu.memory_space<vmem>>) dst(%dma_wait3A_177 : memref<10240x128xf32, #tpu.memory_space<vmem_shared>>)
    %barrier3A_178 = arith.constant 0 : index
    tpu.barrier barrier_id(%barrier3A_178)
    %eq3A = arith.constant 0 : i32
    %eq3A_179 = arith.cmpi eq, %arg0, %eq3A : i32
    %convert_element_type3A = arith.extui %eq3A_179 : i1 to i32
    %cond3A = arith.constant 0 : i32
    %cond3A_180 = arith.cmpi ne, %convert_element_type3A, %cond3A : i32
    scf.if %cond3A_180 {
      "tpu.region"() ({
        %run_scoped3A = tpu.sem_alloc : memref<!tpu.dma_semaphore, #tpu.memory_space<semaphore_mem>>
        %dma_start3A_186 = arith.constant 0 : i32
        %dma_start3A_187 = tpu.memref_slice %arg6[%mul3A_4, %dma_start3A_186] : memref<10240x128xf32, #tpu.memory_space<hbm>> -> memref<640x128xf32, #tpu.memory_space<hbm>>
        %dma_start3A_188 = arith.constant 0 : i32
        %dma_start3A_189 = tpu.memref_slice %arg15[%mul3A_4, %dma_start3A_188] : memref<10240x128xf32, #tpu.memory_space<vmem_shared>> -> memref<640x128xf32, #tpu.memory_space<vmem_shared>>
        tpu.enqueue_dma source(%dma_start3A_189 : memref<640x128xf32, #tpu.memory_space<vmem_shared>>) target(%dma_start3A_187 : memref<640x128xf32, #tpu.memory_space<hbm>>) target_semaphore(%run_scoped3A : memref<!tpu.dma_semaphore, #tpu.memory_space<semaphore_mem>>)
        %dma_wait3A_190 = arith.constant 0 : i32
        %dma_wait3A_191 = tpu.memref_slice %arg6[%mul3A_4, %dma_wait3A_190] : memref<10240x128xf32, #tpu.memory_space<hbm>> -> memref<640x128xf32, #tpu.memory_space<hbm>>
        %dma_wait3A_192 = arith.constant 0 : i32
        %dma_wait3A_193 = tpu.memref_slice %arg15[%mul3A_4, %dma_wait3A_192] : memref<10240x128xf32, #tpu.memory_space<vmem_shared>> -> memref<640x128xf32, #tpu.memory_space<vmem_shared>>
        tpu.wait_dma2 semaphore(%run_scoped3A : memref<!tpu.dma_semaphore, #tpu.memory_space<semaphore_mem>>) src(%dma_wait3A_193 : memref<640x128xf32, #tpu.memory_space<vmem_shared>>) dst(%dma_wait3A_191 : memref<640x128xf32, #tpu.memory_space<hbm>>)
        tpu.yield
      }) : () -> ()
    } else {
    }
    %eq3A_181 = arith.constant 1 : i32
    %eq3A_182 = arith.cmpi eq, %arg0, %eq3A_181 : i32
    %convert_element_type3A_183 = arith.extui %eq3A_182 : i1 to i32
    %cond3A_184 = arith.constant 0 : i32
    %cond3A_185 = arith.cmpi ne, %convert_element_type3A_183, %cond3A_184 : i32
    scf.if %cond3A_185 {
      "tpu.region"() ({
        %run_scoped3A = tpu.sem_alloc : memref<!tpu.dma_semaphore, #tpu.memory_space<semaphore_mem>>
        %dma_start3A_186 = arith.constant 0 : i32
        %dma_start3A_187 = tpu.memref_slice %arg7[%mul3A_4, %dma_start3A_186] : memref<10240x128xf32, #tpu.memory_space<hbm>> -> memref<640x128xf32, #tpu.memory_space<hbm>>
        %dma_start3A_188 = arith.constant 0 : i32
        %dma_start3A_189 = tpu.memref_slice %arg15[%mul3A_4, %dma_start3A_188] : memref<10240x128xf32, #tpu.memory_space<vmem_shared>> -> memref<640x128xf32, #tpu.memory_space<vmem_shared>>
        tpu.enqueue_dma source(%dma_start3A_189 : memref<640x128xf32, #tpu.memory_space<vmem_shared>>) target(%dma_start3A_187 : memref<640x128xf32, #tpu.memory_space<hbm>>) target_semaphore(%run_scoped3A : memref<!tpu.dma_semaphore, #tpu.memory_space<semaphore_mem>>)
        %dma_wait3A_190 = arith.constant 0 : i32
        %dma_wait3A_191 = tpu.memref_slice %arg7[%mul3A_4, %dma_wait3A_190] : memref<10240x128xf32, #tpu.memory_space<hbm>> -> memref<640x128xf32, #tpu.memory_space<hbm>>
        %dma_wait3A_192 = arith.constant 0 : i32
        %dma_wait3A_193 = tpu.memref_slice %arg15[%mul3A_4, %dma_wait3A_192] : memref<10240x128xf32, #tpu.memory_space<vmem_shared>> -> memref<640x128xf32, #tpu.memory_space<vmem_shared>>
        tpu.wait_dma2 semaphore(%run_scoped3A : memref<!tpu.dma_semaphore, #tpu.memory_space<semaphore_mem>>) src(%dma_wait3A_193 : memref<640x128xf32, #tpu.memory_space<vmem_shared>>) dst(%dma_wait3A_191 : memref<640x128xf32, #tpu.memory_space<hbm>>)
        tpu.yield
      }) : () -> ()
    } else {
    }
    return
  }
}

module attributes {stable_mosaic.version = 14 : i64} {
  func.func @_combine_body(%arg0: i32, %arg1: memref<80x128xf32, #tpu.memory_space<vmem>>, %arg2: memref<80x128xf32, #tpu.memory_space<vmem>>, %arg3: memref<80x128xf32, #tpu.memory_space<vmem>>) attributes {dimension_semantics = [#tpu.dimension_semantics<arbitrary>], iteration_bounds = array<i64: 125>, scalar_prefetch = 0 : i64, scratch_operands = 0 : i64, tpu.core_type = #tpu.core_type<tc>, window_params = [{transform_indices = @transform_0, window_bounds = array<i64: 80, 128>}, {transform_indices = @transform_1, window_bounds = array<i64: 80, 128>}, {transform_indices = @transform_2, window_bounds = array<i64: 80, 128>}]} {
    %get3A = arith.constant 0 : index
    %get3A_0 = arith.constant 0 : index
    %get3A_1 = vector.load %arg1[%get3A, %get3A_0] : memref<80x128xf32, #tpu.memory_space<vmem>>, vector<80x128xf32>
    %get3A_2 = arith.constant 0 : index
    %get3A_3 = arith.constant 0 : index
    %get3A_4 = vector.load %arg2[%get3A_2, %get3A_3] : memref<80x128xf32, #tpu.memory_space<vmem>>, vector<80x128xf32>
    %add3A = arith.addf %get3A_1, %get3A_4 : vector<80x128xf32>
    %swap3A = arith.constant 0 : index
    %swap3A_5 = arith.constant 0 : index
    %swap3A_6 = vector.load %arg3[%swap3A, %swap3A_5] : memref<80x128xf32, #tpu.memory_space<vmem>>, vector<80x128xf32>
    tpu.vector_store %arg3[%swap3A, %swap3A_5], %add3A {strides = array<i32>} : memref<80x128xf32, #tpu.memory_space<vmem>>, vector<80x128xf32>,
    return
  }
  func.func @transform_0(%arg0: i32) -> (i32, i32) {
    %c0_i32 = arith.constant 0 : i32
    %c0_i32_0 = arith.constant 0 : i32
    return %arg0, %c0_i32 : i32, i32
  }
  func.func @transform_1(%arg0: i32) -> (i32, i32) {
    %c0_i32 = arith.constant 0 : i32
    %c0_i32_0 = arith.constant 0 : i32
    return %arg0, %c0_i32 : i32, i32
  }
  func.func @transform_2(%arg0: i32) -> (i32, i32) {
    %c0_i32 = arith.constant 0 : i32
    %c0_i32_0 = arith.constant 0 : i32
    return %arg0, %c0_i32 : i32, i32
  }
}

</mosaic_0001>

<sc_bundles>
// kernel: kernel.4.cloned.1.call-start
scs
__scs_entry_jumppad:
0x0: {  	(pc) =	sbr.rel $0x88, $3  }
0x1: {  	(tag) =	ssettag $0x0;
	lr =	simm.s32 $0x1  }
0x2: {  	[smem:$0x3F9F] =	sst lr;
	_ =	strace $0xD0000000  }
0x3: {  	_ = 	snop  }
0x4: {  	_ = 	snop  }
0x5: {  	_ = 	snop  }
0x6: {  	_ = 	snop  }
0x7: {  	_ = 	snop  }
__scs_overlays_trampoline_lowered:
0x8: {  	[smem:$0x3FAE] =	sst s0  }
0x9: {  	[smem:$0x3FAF] =	sst s1  }
0xa: {  	[smem:$0x3FB0] =	sst s2  }
0xb: {  	[smem:$0x3FB1] =	sst s3  }
0xc: {  	[smem:$0x3FB2] =	sst s4  }
0xd: {  	[smem:$0x3FB3] =	sst s5  }
0xe: {  	[smem:$0x3FB4] =	sst s6  }
0xf: {  	[smem:$0x3FB5] =	sst s7  }
0x10: {  	[smem:$0x3FB6] =	sst s8  }
0x11: {  	[smem:$0x3FB7] =	sst s9;
	s0 =	simm.s32 @!p0 $0x0  }
0x12: {  	s1 =	sld [smem:$0x3F9D];
	s0 =	simm.s32 @p0 $0x1  }
0x13: {  	[smem:$0x3FB8] =	sst s0;
	s0 =	simm.s32 @!p1 $0x0  }
0x14: {  	s2 =	sld [smem:$0x3F9C];
	s0 =	simm.s32 @p1 $0x1  }
0x15: {  	[smem:$0x3FB9] =	sst s0;
	s0 =	simm.s32 @!p2 $0x0  }
0x16: {  	s3 =	sld [smem:$0x3FDB];
	s0 =	simm.s32 @p2 $0x1  }
0x17: {  	s4 =	simm.s32 $0x1BF5;
	[smem:$0x3FBB] =	sst s0  }
0x18: {  	s0 =	sld [smem:$0x3F9E];
	_ =	swait.ge [sflag:s4], $0x0  }
0x19: {  	s7 =	sld [smem:$0x3F9F]  }
0x1a: {  	s8 =	sadd.s32 $0xFFFFE003, lr  }
0x1b: {  	s9 =	sadd.s32 $0xFFFFFEF7, lr;
	s5 =	simm.s32 $0xFFFFFFFF;
	p2 =	slt.u32 s8, $0xFFFFF086  }
0x1c: {  	p1 =	slt.u32 s9, $0xF7A;
	s5 =	simm.s32 @!p2 $0x0  }
0x1d: {  	s5 =	simm.s32 @p1 $0x1;
	p0 =	seq.s32 s7, s2  }
0x1e: {  	s7 =	smul.u32 @!p0 $0xF7A, s2;
	p2 =	seq.s32 @!p0 s5, $0x0  }
0x1f: {  	s9 =	smul.u32 $0xF7A, s1;
	s8 =	simm.s32 @!p0 $0x1BF5;
	p2 =	por !p2, p0  }
0x20: {  	[sflag:s8] =	ssyncset.s32 @!p0 $0xFFFFF086;
	s6 =	sadd.s32 @!p0 s3, s7;
	s7 =	simm.s32 @!p0 $0x108  }
0x21: {  	s3 =	sadd.s32 s3, s9;
	s6 =	sadd.s32 @!p0 $0x88, s6;
	s7 =	simm.s32 @p2 $0x1082  }
0x22: {  	[simem:s7], [sflag:s8] =	dma.local @!p0 [hbm:s6], $0xF7A  }
0x23: {  	s9 =	sor.u32 $0xD0000000, s2;
	s6 =	simm.s32 $0x108;
	_ =	swait.ge @!p0 [sflag:s8], $0x0  }
0x24: {  	s3 =	sadd.s32 $0x88, s3;
	s6 =	simm.s32 @!p1 $0x1082;
	[sflag:s4] =	ssyncset.s32 $0xFFFFF086  }
0x25: {  	[simem:s6], [sflag:s4] =	dma.local [hbm:s3], $0xF7A  }
0x26: {  	[smem:$0x3F9F] =	sst s1;
	(tag) =	ssettag s2;
	_ =	strace s9  }
0x27: {  	s1 =	sld [smem:$0x3FAF]  }
0x28: {  	s2 =	sld [smem:$0x3FB0]  }
0x29: {  	s4 =	sld [smem:$0x3FB2]  }
0x2a: {  	p0 =	seq.s32 s5, $0x0;
	s5 =	sld [smem:$0x3FB3]  }
0x2b: {  	s6 =	sld [smem:$0x3FB4]  }
0x2c: {  	s7 =	sld [smem:$0x3FB5]  }
0x2d: {  	s3 =	simm.s32 $0x108;
	s8 =	sld [smem:$0x3FB6]  }
0x2e: {  	s3 =	simm.s32 @!p0 $0x1082;
	s9 =	sld [smem:$0x3FB7]  }
0x2f: {  	lr =	sadd.s32 s0, s3;
	s0 =	sld [smem:$0x3FAE]  }
0x30: {  	s3 =	sld [smem:$0x3FB1]  }
0x31: {  	[smem:$0x3FBA] =	sst s10  }
0x32: {  	s10 =	sld [smem:$0x3FB8];
	_ =	sdelay $0x3  }
0x33: {  	p0 =	seq.s32 s10, $0x1;
	s10 =	sld [smem:$0x3FBA];
	_ =	sdelay $0x3  }
0x34: {  	[smem:$0x3FBA] =	sst s10  }
0x35: {  	s10 =	sld [smem:$0x3FB9];
	_ =	sdelay $0x3  }
0x36: {  	p1 =	seq.s32 s10, $0x1;
	s10 =	sld [smem:$0x3FBA];
	_ =	sdelay $0x3  }
0x37: {  	[smem:$0x3FBA] =	sst s10  }
0x38: {  	s10 =	sld [smem:$0x3FBB]  }
0x39: {  	_ = 	snop;
	(pc) =	sbr.ind lr, $3  }
0x3a: {  	_ = 	snop  }
0x3b: {  	_ = 	snop  }
0x3c: {  	p2 =	seq.s32 s10, $0x1;
	s10 =	sld [smem:$0x3FBA]  }
0x3d: {  	_ =	shalt  }
0x3e: {  	_ =	shalt  }
0x3f: {  	_ =	shalt  }
0x40: {  	_ =	shalt  }
0x41: {  	_ =	shalt  }
0x42: {  	_ =	shalt  }
0x43: {  	_ =	shalt  }
0x44: {  	_ =	shalt  }
0x45: {  	_ =	shalt  }
0x46: {  	_ =	shalt  }
0x47: {  	_ =	shalt  }
0x48: {  	_ =	shalt  }
0x49: {  	_ =	shalt  }
0x4a: {  	_ =	shalt  }
0x4b: {  	_ =	shalt  }
0x4c: {  	_ =	shalt  }
0x4d: {  	_ =	shalt  }
0x4e: {  	_ =	shalt  }
0x4f: {  	_ =	shalt  }
0x50: {  	_ =	shalt  }
0x51: {  	_ =	shalt  }
0x52: {  	_ =	shalt  }
0x53: {  	_ =	shalt  }
0x54: {  	_ =	shalt  }
0x55: {  	_ =	shalt  }
0x56: {  	_ =	shalt  }
0x57: {  	_ =	shalt  }
0x58: {  	_ =	shalt  }
0x59: {  	_ =	shalt  }
0x5a: {  	_ =	shalt  }
0x5b: {  	_ =	shalt  }
0x5c: {  	_ =	shalt  }
0x5d: {  	_ =	shalt  }
0x5e: {  	_ =	shalt  }
0x5f: {  	_ =	shalt  }
0x60: {  	_ =	shalt  }
0x61: {  	_ =	shalt  }
0x62: {  	_ =	shalt  }
0x63: {  	_ =	shalt  }
0x64: {  	_ =	shalt  }
0x65: {  	_ =	shalt  }
0x66: {  	_ =	shalt  }
0x67: {  	_ =	shalt  }
0x68: {  	_ =	shalt  }
0x69: {  	_ =	shalt  }
0x6a: {  	_ =	shalt  }
0x6b: {  	_ =	shalt  }
0x6c: {  	_ =	shalt  }
0x6d: {  	_ =	shalt  }
0x6e: {  	_ =	shalt  }
0x6f: {  	_ =	shalt  }
0x70: {  	_ =	shalt  }
0x71: {  	_ =	shalt  }
0x72: {  	_ =	shalt  }
0x73: {  	_ =	shalt  }
0x74: {  	_ =	shalt  }
0x75: {  	_ =	shalt  }
0x76: {  	_ =	shalt  }
0x77: {  	_ =	shalt  }
0x78: {  	_ =	shalt  }
0x79: {  	_ =	shalt  }
0x7a: {  	_ =	shalt  }
0x7b: {  	_ =	shalt  }
0x7c: {  	_ =	shalt  }
0x7d: {  	_ =	shalt  }
0x7e: {  	_ =	shalt  }
0x7f: {  	_ =	shalt  }
0x80: {  	_ =	shalt  }
0x81: {  	_ =	shalt  }
0x82: {  	_ =	shalt  }
0x83: {  	_ =	shalt  }
0x84: {  	_ =	shalt  }
0x85: {  	_ =	shalt  }
0x86: {  	_ =	shalt  }
0x87: {  	_ =	shalt  }
.Lfunc_end0:
.L_simem_size_0:
called_computation_lowered:
.L_overlay_start_0:
0x88: {  	s2 =	sld [smem:$0x3FD9]  }
0x89: {  	s3 =	sld [smem:$0x3FFE];
	_ =	sdelay $0x1  }
0x8a: {  	s1 =	srdreg.scid  }
0x8b: {  	s0 =	sand.u32 $0x1, s1  }
0x8c: {  	s17 =	sshll.u32 s0, $0xA;
	s2 =	sadd.s32 s3, s2  }
0x8d: {  	s2 =	sadd.s32 s2, s17  }
0x8e: {  	[smem:$0x3FC6] =	sst s2  }
0x8f: {  	_ = 	snop  }
0x90: {  	s2 =	sld [smem:$0x3FC9]  }
0x91: {  	s18 =	sld [smem:$0x3FD0];
	(tm) =	ssettm $0x1  }
0x92: {  	s4 =	sld [smem:$0x3FFB];
	_ =	sdelay $0x3  }
0x93: {  	_ =	strace s4  }
0x94: {  	s4 =	sld [smem:$0x3FFC];
	_ =	sdelay $0x3  }
0x95: {  	_ =	strace s4  }
0x96: {  	s4 =	sld [smem:$0x3FFD];
	_ =	sdelay $0x3  }
0x97: {  	_ =	strace s4  }
0x98: {  	_ =	strace $0x8FFFFFFF  }
0x99: {  	s19 =	sld [smem:$0x3FDB];
	_ =	sdelay $0x1  }
0x9a: {  	s5 =	simm.s32 $_scs_section_size  }
0x9b: {  	s6 =	simm.s32 $_size__tile_overlayer_lowered;
	s7 =	simm.s32 $_tile_overlayer_lowered  }
0x9c: {  	s22 =	simm.s32 $0x1BFF;
	s21 =	sshll.u32 s7, $0x1;
	s4 =	sadd.s32 s5, s19  }
0x9d: {  	s8 =	simm.s32 $0x0;
	s20 =	sshll.u32 s6, $0x1;
	s6 =	sadd.s32 s21, s4  }
0x9e: {  	[timem:s8], [sflag:s22] =	dma.local [hbm:s6], s20  }
0x9f: {  	_ =	swait.ge [sflag:s22], s20  }
0xa0: {  	s5 =	ssub.s32 $0x0, s20;
	[sflag:s22] =	ssyncset.done $0x0  }
0xa1: {  	[sflag:s22] =	ssyncadd.s32 s5;
	_ =	sdelay $0x1  }
0xa2: {  	s23 =	simm.s32 $0x1B8B  }
0xa3: {  	_ =	swait.ge [sflag:s23], $0x1  }
0xa4: {  	[sflag:s23] =	ssyncset.done $0x0  }
0xa5: {  	s25 =	simm.s32 $0x1B8E;
	s24 =	sld [smem:$0x3FFE];
	[sflag:s23] =	ssyncadd.s32 $0xFFFFFFFF  }
0xa6: {  	s26 =	simm.s32 $execute0_lowered;
	[smem:$0x3FD2] =	sst s25  }
0xa7: {  	s6 =	sshll.u32 s26, $0x1;
	_ =	strace $0x80000046;
	[dreg:$0x1] =	wrdreg $0xFFFFFFFF  }
0xa8: {  	s28 =	simm.s32 $_size_execute0_lowered;
	s4 =	sadd.s32 s4, s6;
	[dreg:$0x0] =	wrdreg $0x0  }
0xa9: {  	s6 =	sshll.u32 s28, $0x1;
	[dreg:$0x2] =	wrdreg s4  }
0xaa: {  	[dreg:$0x3] =	wrdreg s6  }
0xab: {  	[dreg:$0x4] =	wrdreg $0xC0  }
0xac: {  	_ =	task [dreg:s8], $0x5FFFF  }
0xad: {  	[dreg:$0x1] =	wrdreg $0xFFFFFFFF  }
0xae: {  	[dreg:$0x0] =	wrdreg $0x60  }
0xaf: {  	[dreg:$0x2] =	wrdreg s2  }
0xb0: {  	[dreg:$0x3] =	wrdreg s24  }
0xb1: {  	[dreg:$0x4] =	wrdreg s18  }
0xb2: {  	[dreg:$0x5] =	wrdreg $0xA1000  }
0xb3: {  	[dreg:$0x6] =	wrdreg $0x9  }
0xb4: {  	_ =	task.clear_ibuf [dreg:s8], $0x7FFFF;
	_ =	strace $0x90000046  }
0xb5: {  	s29 =	simm.s32 $0x9;
	_ =	strace $0x80000048  }
0xb6: {  	_ =	swait.ge [sflag:s29], $0x1  }
0xb7: {  	[sflag:s29] =	ssyncadd.s32 $0xFFFFFFFF  }
0xb8: {  	_ =	strace $0x90000048  }
0xb9: {  	_ =	sfence  }
0xba: {  	s30 =	sld [smem:$0x0];
	_ =	sdelay $0x2  }
0xbb: {  	s31 =	sshll.u32 s1, $0xD;
	s1 =	sshrl.u32 s1, $0x2  }
0xbc: {  	s3 =	sand.u32 $0x4000, s31;
	s1 =	sadd.s32 s1, s30  }
0xbd: {  	s0 =	sor.u32 s3, s0;
	s1 =	sshll.u32 s1, $0x11  }
0xbe: {  	s0 =	sor.u32 s1, s0  }
0xbf: {  	s0 =	sadd.s32 $0x8F2B, s0  }
0xc0: {  	[sflag:s0] =	ssyncadd.remote.s32 $0x1  }
0xc1: {  	_ =	sfence.sel $0xFFFF  }
0xc2: {  	[dreg:$0x0] =	wrdreg $0xFFFFFFFF;
	(pc) =	sbr.abs _section_cstart, $3  }
0xc3: {  	[dreg:$0x1] =	wrdreg $0xFFFFFFFF  }
0xc4: {  	_ =	task.clear_ibuf [dreg:s8], $0x2FFFF;
	_ =	strace $0x9FFFFFFF  }
0xc5: {  	(tm) =	ssettm $0x7FFFFFFF  }
tec
execute0_lowered:
.L_overlay_start_1:
0x0: {  	(tag) =	ssettag $0x1  }
0x1: {  	s0 =	rddreg [dreg:$0x0]  }
0x2: {  	s1 =	rddreg [dreg:$0x1]  }
0x3: {  	s5 =	rddreg [dreg:$0x2]  }
0x4: {  	s2 =	srdreg.scid;
	s3 =	rddreg [dreg:$0x3]  }
0x5: {  	s12 =	stileid.u32;
	s4 =	simm.s32 $0x0;
	s28 =	simm.s32 $0x1  }
0x6: {  	s29 =	simm.s32 $0x4;
	s31 =	simm.s32 $0x7900;
	s8 =	smul.u32 $0x2800, s12  }
0x7: {  	s30 =	simm.s32 $0x5;
	s2 =	sand.u32 $0x1, s2;
	s11 =	smul.u32 $0x50000, s12  }
0x8: {  	[smem:$0x7FF] =	sst s4;
	s15 =	sshll.u32 s12, $0x6;
	s19 =	smul.u32 $0x7D, s12  }
0x9: {  	s6 =	sshll.u32 s2, $0x4;
	_ =	strace $0x80000047;
	s9 =	ssub.s32 $0x2, s2  }
0xa: {  	[dreg:$0x5] =	wrdreg s15;
	s18 =	smul.u32 $0x7D0, s2;
	p0 =	seq.s32 s2, $0x1  }
0xb: {  	s2 =	simm.s32 $0x5A200;
	s6 =	sor.u32 s12, s6;
	s10 =	sshrl.u32 s9, $0x1  }
0xc: {  	s14 =	sshrl.u32 s11, $0x2;
	s11 =	sor.u32 $0x1C0A, s15;
	s7 =	smul.u32 $0x4E2, s6  }
0xd: {  	s2 =	simm.s32 @!p0 $0x32200;
	s25 =	ssub.s32 s9, s10;
	s26 =	smul.u32 $0x3E80, s6  }
0xe: {  	s6 =	smul.u32 $0x280, s6;
	s10 =	sadd.s32 s14, s3;
	[dreg:$0x7] =	wrdreg s11  }
0xf: {  	s24 =	sadd.s32 s19, s18;
	s9 =	simm.s32 $0x9;
	s25 =	smax.u32 s25, $0x1  }
0x10: {  	s19 =	sshrl.u32 s10, $0x3;
	s10 =	simm.s32 $0x0;
	s7 =	sadd.s32 s7, s1  }
0x11: {  	s1 =	sadd.s32 s8, s1;
	s16 =	sand.u32 $0x7FC00, s26;
	s6 =	sand.u32 $0x380, s6  }
0x12: {  	s17 =	sshrl.u32 s26, $0x3;
	[dreg:$0xe] =	wrdreg s25;
	s13 =	sadd.s32 $0xA200, s1  }
0x13: {  	s7 =	sadd.s32 $0x400, s7;
	s6 =	sor.u32 s6, s16;
	[dreg:$0x6] =	wrdreg s13  }
0x14: {  	s1 =	sadd.s32 s2, s1;
	[dreg:$0x8] =	wrdreg s7;
	s6 =	sshrl.u32 s6, $0x3  }
0x15: {  	s7 =	sadd.s32 s5, s17;
	[dreg:$0xf] =	wrdreg s1;
	s6 =	sadd.s32 s5, s6  }
0x16: {  	s25 =	simm.s32 $0x2800;
	s20 =	sadd.s32 $0x10, s7;
	[dreg:$0x9] =	wrdreg s6  }
0x17: {  	s8 =	simm.s32 $0x6;
	s21 =	sadd.s32 $0x20, s7;
	[dreg:$0xa] =	wrdreg s20  }
0x18: {  	s2 =	simm.s32 $0x2;
	s22 =	sadd.s32 $0x30, s7;
	[dreg:$0xb] =	wrdreg s21  }
0x19: {  	s1 =	simm.s32 $0x2880;
	s23 =	sadd.s32 $0x40, s7;
	[dreg:$0xc] =	wrdreg s22  }
0x1a: {  	s7 =	simm.s32 $0x3;
	[dreg:$0xd] =	wrdreg s23;
	s6 =	sshll.u32 s24, $0x4  }
0x1b: {  	s20 =	simm.s32 $0xB;
	s21 =	simm.s32 $0x50;
	s22 =	simm.s32 $0x2900  }
0x1c: {  	s23 =	simm.s32 $0x2780;
	s24 =	simm.s32 $0x5100;
	s5 =	sadd.s32 s5, s6  }
0x1d: {  	s6 =	simm.s32 $0x7;
	s15 =	sadd.s32 $0x70, s5;
	s26 =	sadd.s32 $0x60, s5  }
0x1e: {  	s18 =	sadd.s32 $0x50, s5;
	s5 =	simm.s32 $0x8;
	[dreg:$0x10] =	wrdreg s26  }
.LBB2_1:
0x1f: {  	s11 =	rddreg [dreg:$0x6]  }
0x20: {  	s12 =	rddreg [dreg:$0x7]  }
0x21: {  	[spmem:s19], [sflag:s12] =	dma.local [hbm:s11], $0x2800  }
0x22: {  	s11 =	rddreg [dreg:$0x8]  }
0x23: {  	[tilespmem:s4], [sflag:$0xB] =	stream.linear.gather [hbm4b:s11+s4], $0x2710, $0x38;
	[tilespmem:$0x1E100] =	vst v63  }
0x24: {  	_ =	swait.ge [sflag:s20], $0x2710  }
0x25: {  	[sflag:s20] =	ssyncset.done $0x0  }
0x26: {  	[sflag:s20] =	ssyncadd.s32 $0xFFFFD8F0  }
0x27: {  	[tilespmem:s22], [sflag:$0x1] =	stream.indirect.gather [hbm4b:s0+s21], $0x80, s4, s21, $0xb8;
	[tilespmem:$0x1E100] =	vst v63  }
0x28: {  	s12 =	rddreg [dreg:$0x9]  }
0x29: {  	[tilespmem:s23], [sflag:$0x4] =	stream.linear.gather [hbm4b:s12+s4], $0x80, $0x38;
	[tilespmem:$0x1E100] =	vst v63  }
0x2a: {  	_ = 	snop  }
0x2b: {  	[tilespmem:s24], [sflag:$0x2] =	stream.indirect.gather [hbm4b:s0+s21], $0x80, s21, s21, $0xb8;
	[tilespmem:$0x1E100] =	vst v63  }
0x2c: {  	s14 =	simm.s32 $0xA;
	s13 =	rddreg [dreg:$0xa]  }
0x2d: {  	[tilespmem:s25], [sflag:$0x5] =	stream.linear.gather [hbm4b:s13+s4], $0x80, $0x38;
	[tilespmem:$0x1E100] =	vst v63  }
0x2e: {  	_ =	swait.ge [sflag:s14], $0x2800  }
0x2f: {  	[sflag:s14] =	ssyncset.done $0x0  }
0x30: {  	[sflag:s14] =	ssyncadd.s32 $0xFFFFD800  }
0x31: {  	[bflag:$0x0] =	sbarrier.arrive $0xFFFF  }
0x32: {  	_ =	swait.ge [sflag:s28], $0x2800  }
0x33: {  	[sflag:s28] =	ssyncset.done $0x0  }
0x34: {  	[sflag:s28] =	ssyncadd.s32 $0xFFFFD800  }
0x35: {  	_ =	swait.ge [sflag:s29], $0x80  }
0x36: {  	[sflag:s29] =	ssyncset.done $0x0  }
0x37: {  	[sflag:s29] =	ssyncadd.s32 $0xFFFFFF80  }
0x38: {  	[spmem:s3] =	stream.indirect.scatter.add.f32 [tilespmem:s22], [sflag:$0x7], $0x80, s23, s21, $0xb8;
	[tilespmem:$0x1E100] =	vst v63  }
0x39: {  	s16 =	simm.s32 $0xA0  }
0x3a: {  	[tilespmem:s31], [sflag:$0x3] =	stream.indirect.gather [hbm4b:s0+s21], $0x80, s16, s21, $0xb8;
	[tilespmem:$0x1E100] =	vst v63  }
0x3b: {  	s17 =	rddreg [dreg:$0xb]  }
0x3c: {  	[tilespmem:s1], [sflag:$0x6] =	stream.linear.gather [hbm4b:s17+s4], $0x80, $0x38;
	[tilespmem:$0x1E100] =	vst v63  }
0x3d: {  	_ =	swait.ge [sflag:s2], $0x2800  }
0x3e: {  	[sflag:s2] =	ssyncset.done $0x0  }
0x3f: {  	[sflag:s2] =	ssyncadd.s32 $0xFFFFD800  }
0x40: {  	_ =	swait.ge [sflag:s30], $0x80  }
0x41: {  	[sflag:s30] =	ssyncset.done $0x0  }
0x42: {  	[sflag:s30] =	ssyncadd.s32 $0xFFFFFF80  }
0x43: {  	[spmem:s3] =	stream.indirect.scatter.add.f32 [tilespmem:s24], [sflag:$0x8], $0x80, s25, s21, $0xb8;
	[tilespmem:$0x1E100] =	vst v63  }
0x44: {  	_ =	swait.ge [sflag:s6], $0x2800  }
0x45: {  	[sflag:s6] =	ssyncset.done $0x0  }
0x46: {  	s26 =	simm.s32 $0xF0;
	[sflag:s6] =	ssyncadd.s32 $0xFFFFD800  }
0x47: {  	[tilespmem:s22], [sflag:$0x1] =	stream.indirect.gather [hbm4b:s0+s21], $0x80, s26, s21, $0xb8;
	[tilespmem:$0x1E100] =	vst v63  }
0x48: {  	s12 =	rddreg [dreg:$0xc]  }
0x49: {  	[tilespmem:s23], [sflag:$0x4] =	stream.linear.gather [hbm4b:s12+s4], $0x80, $0x38;
	[tilespmem:$0x1E100] =	vst v63  }
0x4a: {  	_ =	swait.ge [sflag:s7], $0x2800  }
0x4b: {  	[sflag:s7] =	ssyncset.done $0x0  }
0x4c: {  	[sflag:s7] =	ssyncadd.s32 $0xFFFFD800  }
0x4d: {  	_ =	swait.ge [sflag:s8], $0x80  }
0x4e: {  	[sflag:s8] =	ssyncset.done $0x0  }
0x4f: {  	[sflag:s8] =	ssyncadd.s32 $0xFFFFFF80  }
0x50: {  	[spmem:s3] =	stream.indirect.scatter.add.f32 [tilespmem:s31], [sflag:$0x9], $0x80, s1, s21, $0xb8;
	[tilespmem:$0x1E100] =	vst v63  }
0x51: {  	_ =	swait.ge [sflag:s5], $0x2800  }
0x52: {  	[sflag:s5] =	ssyncset.done $0x0  }
0x53: {  	s13 =	simm.s32 $0x140;
	[sflag:s5] =	ssyncadd.s32 $0xFFFFD800  }
0x54: {  	[tilespmem:s24], [sflag:$0x2] =	stream.indirect.gather [hbm4b:s0+s21], $0x80, s13, s21, $0xb8;
	[tilespmem:$0x1E100] =	vst v63  }
0x55: {  	s14 =	rddreg [dreg:$0xd]  }
0x56: {  	[tilespmem:s25], [sflag:$0x5] =	stream.linear.gather [hbm4b:s14+s4], $0x80, $0x38;
	[tilespmem:$0x1E100] =	vst v63  }
0x57: {  	_ =	swait.ge [sflag:s28], $0x2800  }
0x58: {  	[sflag:s28] =	ssyncset.done $0x0  }
0x59: {  	[sflag:s28] =	ssyncadd.s32 $0xFFFFD800  }
0x5a: {  	_ =	swait.ge [sflag:s29], $0x80  }
0x5b: {  	[sflag:s29] =	ssyncset.done $0x0  }
0x5c: {  	[sflag:s29] =	ssyncadd.s32 $0xFFFFFF80  }
0x5d: {  	[spmem:s3] =	stream.indirect.scatter.add.f32 [tilespmem:s22], [sflag:$0x7], $0x80, s23, s21, $0xb8;
	[tilespmem:$0x1E100] =	vst v63  }
0x5e: {  	_ =	swait.ge [sflag:s9], $0x2800  }
0x5f: {  	[sflag:s9] =	ssyncset.done $0x0  }
0x60: {  	s16 =	simm.s32 $0x190;
	[sflag:s9] =	ssyncadd.s32 $0xFFFFD800  }
0x61: {  	[tilespmem:s31], [sflag:$0x3] =	stream.indirect.gather [hbm4b:s0+s21], $0x80, s16, s21, $0xb8;
	[tilespmem:$0x1E100] =	vst v63  }
0x62: {  	_ = 	snop  }
0x63: {  	[tilespmem:s1], [sflag:$0x6] =	stream.linear.gather [hbm4b:s18+s4], $0x80, $0x38;
	[tilespmem:$0x1E100] =	vst v63  }
0x64: {  	_ =	swait.ge [sflag:s2], $0x2800  }
0x65: {  	[sflag:s2] =	ssyncset.done $0x0  }
0x66: {  	[sflag:s2] =	ssyncadd.s32 $0xFFFFD800  }
0x67: {  	_ =	swait.ge [sflag:s30], $0x80  }
0x68: {  	[sflag:s30] =	ssyncset.done $0x0  }
0x69: {  	[sflag:s30] =	ssyncadd.s32 $0xFFFFFF80  }
0x6a: {  	[spmem:s3] =	stream.indirect.scatter.add.f32 [tilespmem:s24], [sflag:$0x8], $0x80, s25, s21, $0xb8;
	[tilespmem:$0x1E100] =	vst v63  }
0x6b: {  	_ =	swait.ge [sflag:s6], $0x2800  }
0x6c: {  	[sflag:s6] =	ssyncset.done $0x0  }
0x6d: {  	s17 =	simm.s32 $0x1E0;
	[sflag:s6] =	ssyncadd.s32 $0xFFFFD800  }
0x6e: {  	[tilespmem:s22], [sflag:$0x1] =	stream.indirect.gather [hbm4b:s0+s21], $0x80, s17, s21, $0xb8;
	[tilespmem:$0x1E100] =	vst v63  }
0x6f: {  	s13 =	rddreg [dreg:$0x10]  }
0x70: {  	[tilespmem:s23], [sflag:$0x4] =	stream.linear.gather [hbm4b:s13+s4], $0x80, $0x38;
	[tilespmem:$0x1E100] =	vst v63  }
0x71: {  	_ =	swait.ge [sflag:s7], $0x2800  }
0x72: {  	[sflag:s7] =	ssyncset.done $0x0  }
0x73: {  	[sflag:s7] =	ssyncadd.s32 $0xFFFFD800  }
0x74: {  	_ =	swait.ge [sflag:s8], $0x80  }
0x75: {  	[sflag:s8] =	ssyncset.done $0x0  }
0x76: {  	[sflag:s8] =	ssyncadd.s32 $0xFFFFFF80  }
0x77: {  	[spmem:s3] =	stream.indirect.scatter.add.f32 [tilespmem:s31], [sflag:$0x9], $0x80, s1, s21, $0xb8;
	[tilespmem:$0x1E100] =	vst v63  }
0x78: {  	s11 =	simm.s32 $0x3C0;
	s26 =	simm.s32 $0x230;
	_ =	swait.ge [sflag:s5], $0x2800  }
0x79: {  	s12 =	sadd.s32 $0x30, s15;
	s14 =	sadd.s32 $0x30, s18;
	[sflag:s5] =	ssyncset.done $0x0  }
0x7a: {  	s16 =	smov.u32 s15;
	s13 =	sadd.s32 $0x30, s13;
	[sflag:s5] =	ssyncadd.s32 $0xFFFFD800  }
0x7b: {  	[tilespmem:s24], [sflag:$0x2] =	stream.indirect.gather [hbm4b:s0+s21], $0x80, s26, s21, $0xb8;
	[tilespmem:$0x1E100] =	vst v63  }
.LBB2_2:
0x7c: {  	[tilespmem:s25], [sflag:$0x5] =	stream.linear.gather [hbm4b:s16+s4], $0x80, $0x38;
	[tilespmem:$0x1E100] =	vst v63  }
0x7d: {  	s26 =	smov.u32 s11;
	s16 =	smov.u32 s12  }
0x7e: {  	p0 =	sne.s32 s11, $0x9240;
	s11 =	sadd.s32 $0x3C0, s11;
	_ =	swait.ge [sflag:s28], $0x2800  }
0x7f: {  	[sflag:s28] =	ssyncset.done $0x0  }
0x80: {  	[sflag:s28] =	ssyncadd.s32 $0xFFFFD800  }
0x81: {  	_ =	swait.ge [sflag:s29], $0x80  }
0x82: {  	[sflag:s29] =	ssyncset.done $0x0  }
0x83: {  	[sflag:s29] =	ssyncadd.s32 $0xFFFFFF80  }
0x84: {  	[spmem:s3] =	stream.indirect.scatter.add.f32 [tilespmem:s22], [sflag:$0x7], $0x80, s23, s21, $0xb8;
	[tilespmem:$0x1E100] =	vst v63  }
0x85: {  	_ =	swait.ge [sflag:s9], $0x2800  }
0x86: {  	s26 =	sshra.s32 s26, $0x2;
	[sflag:s9] =	ssyncset.done $0x0  }
0x87: {  	s17 =	sadd.s32 $0x190, s26;
	[sflag:s9] =	ssyncadd.s32 $0xFFFFD800  }
0x88: {  	[tilespmem:s31], [sflag:$0x3] =	stream.indirect.gather [hbm4b:s0+s21], $0x80, s17, s21, $0xb8;
	[tilespmem:$0x1E100] =	vst v63  }
0x89: {  	_ = 	snop  }
0x8a: {  	[tilespmem:s1], [sflag:$0x6] =	stream.linear.gather [hbm4b:s14+s4], $0x80, $0x38;
	[tilespmem:$0x1E100] =	vst v63  }
0x8b: {  	_ =	swait.ge [sflag:s2], $0x2800  }
0x8c: {  	[sflag:s2] =	ssyncset.done $0x0  }
0x8d: {  	[sflag:s2] =	ssyncadd.s32 $0xFFFFD800  }
0x8e: {  	_ =	swait.ge [sflag:s30], $0x80  }
0x8f: {  	[sflag:s30] =	ssyncset.done $0x0  }
0x90: {  	[sflag:s30] =	ssyncadd.s32 $0xFFFFFF80  }
0x91: {  	[spmem:s3] =	stream.indirect.scatter.add.f32 [tilespmem:s24], [sflag:$0x8], $0x80, s25, s21, $0xb8;
	[tilespmem:$0x1E100] =	vst v63  }
0x92: {  	_ =	swait.ge [sflag:s6], $0x2800  }
0x93: {  	[sflag:s6] =	ssyncset.done $0x0  }
0x94: {  	s17 =	sadd.s32 $0x1E0, s26;
	[sflag:s6] =	ssyncadd.s32 $0xFFFFD800  }
0x95: {  	[tilespmem:s22], [sflag:$0x1] =	stream.indirect.gather [hbm4b:s0+s21], $0x80, s17, s21, $0xb8;
	[tilespmem:$0x1E100] =	vst v63  }
0x96: {  	_ = 	snop  }
0x97: {  	[tilespmem:s23], [sflag:$0x4] =	stream.linear.gather [hbm4b:s13+s4], $0x80, $0x38;
	[tilespmem:$0x1E100] =	vst v63  }
0x98: {  	_ =	swait.ge [sflag:s7], $0x2800  }
0x99: {  	[sflag:s7] =	ssyncset.done $0x0  }
0x9a: {  	[sflag:s7] =	ssyncadd.s32 $0xFFFFD800  }
0x9b: {  	_ =	swait.ge [sflag:s8], $0x80  }
0x9c: {  	[sflag:s8] =	ssyncset.done $0x0  }
0x9d: {  	[sflag:s8] =	ssyncadd.s32 $0xFFFFFF80  }
0x9e: {  	[spmem:s3] =	stream.indirect.scatter.add.f32 [tilespmem:s31], [sflag:$0x9], $0x80, s1, s21, $0xb8;
	[tilespmem:$0x1E100] =	vst v63  }
.Ltmp0:
0x9f: {  	_ =	swait.ge [sflag:s5], $0x2800;
	(pc) =	sbr.rel @p0 .LBB2_2-.Ltmp0, $4  }
0xa0: {  	[sflag:s5] =	ssyncset.done $0x0  }
0xa1: {  	s17 =	sadd.s32 $0x230, s26;
	[sflag:s5] =	ssyncadd.s32 $0xFFFFD800  }
0xa2: {  	[tilespmem:s24], [sflag:$0x2] =	stream.indirect.gather [hbm4b:s0+s21], $0x80, s17, s21, $0xb8;
	[tilespmem:$0x1E100] =	vst v63  }
0xa3: {  	s12 =	sadd.s32 $0x30, s12;
	s14 =	sadd.s32 $0x30, s14;
	s13 =	sadd.s32 $0x30, s13  }
0xa4: {  	[tilespmem:s25], [sflag:$0x5] =	stream.linear.gather [hbm4b:s16+s4], $0x80, $0x38;
	[tilespmem:$0x1E100] =	vst v63  }
0xa5: {  	_ =	swait.ge [sflag:s28], $0x2800  }
0xa6: {  	[sflag:s28] =	ssyncset.done $0x0  }
0xa7: {  	[sflag:s28] =	ssyncadd.s32 $0xFFFFD800  }
0xa8: {  	_ =	swait.ge [sflag:s29], $0x80  }
0xa9: {  	[sflag:s29] =	ssyncset.done $0x0  }
0xaa: {  	[sflag:s29] =	ssyncadd.s32 $0xFFFFFF80  }
0xab: {  	[spmem:s3] =	stream.indirect.scatter.add.f32 [tilespmem:s22], [sflag:$0x7], $0x80, s23, s21, $0xb8;
	[tilespmem:$0x1E100] =	vst v63  }
0xac: {  	_ =	swait.ge [sflag:s9], $0x2800  }
0xad: {  	[sflag:s9] =	ssyncset.done $0x0  }
0xae: {  	[sflag:s9] =	ssyncadd.s32 $0xFFFFD800  }
0xaf: {  	_ =	swait.ge [sflag:s2], $0x2800  }
0xb0: {  	[sflag:s2] =	ssyncset.done $0x0  }
0xb1: {  	[sflag:s2] =	ssyncadd.s32 $0xFFFFD800  }
0xb2: {  	_ =	swait.ge [sflag:s30], $0x80  }
0xb3: {  	[sflag:s30] =	ssyncset.done $0x0  }
0xb4: {  	[sflag:s30] =	ssyncadd.s32 $0xFFFFFF80  }
0xb5: {  	[spmem:s3] =	stream.indirect.scatter.add.f32 [tilespmem:s24], [sflag:$0x8], $0x80, s25, s21, $0xb8;
	[tilespmem:$0x1E100] =	vst v63  }
0xb6: {  	_ =	swait.ge [sflag:s6], $0x2800  }
0xb7: {  	[sflag:s6] =	ssyncset.done $0x0  }
0xb8: {  	[sflag:s6] =	ssyncadd.s32 $0xFFFFD800  }
0xb9: {  	_ =	swait.ge [sflag:s5], $0x2800  }
0xba: {  	[sflag:s5] =	ssyncset.done $0x0  }
0xbb: {  	[sflag:s5] =	ssyncadd.s32 $0xFFFFD800  }
0xbc: {  	[bflag:$0x0] =	sbarrier.arrive $0xFFFF  }
0xbd: {  	s11 =	rddreg [dreg:$0x5]  }
0xbe: {  	s12 =	rddreg [dreg:$0xf];
	s11 =	sor.u32 $0x1C0B, s11  }
0xbf: {  	[hbm:s12], [sflag:s11] =	dma.local [spmem:s19], $0x2800  }
0xc0: {  	_ =	swait.ge [sflag:s20], $0x2800  }
0xc1: {  	s10 =	sadd.s32 $0x1, s10;
	s26 =	rddreg [dreg:$0xe]  }
0xc2: {  	p0 =	sne.s32 s10, s26  }
.Ltmp1:
0xc3: {  	_ = 	snop;
	(pc) =	sbr.rel @p0 .LBB2_1-.Ltmp1, $3  }
0xc4: {  	_ =	sdelay $0x1  }
0xc5: {  	[sflag:s20] =	ssyncset.done $0x0  }
0xc6: {  	[sflag:s20] =	ssyncadd.s32 $0xFFFFD800  }
0xc7: {  	_ =	sfence.sel $0x180000  }
0xc8: {  	[bflag:$0x0] =	sbarrier.arrive $0xFFFF  }
0xc9: {  	_ =	strace $0x90000047  }
0xca: {  	s0 =	stileid.u32;
	[bflag:$0x2] =	sbarrier.arrive $0xFFFF  }
0xcb: {  	p0 =	sne.s32 s0, $0x0;
	s0 =	rddreg [dreg:$0x4]  }
0xcc: {  	s0 =	sadd.s32 @!p0 $0x100000, s0  }
0xcd: {  	[sflag:s0] =	ssyncadd.tile.s32 @!p0 $0x1;
	_ =	shalt  }
.Lfunc_end2:
_tile_overlayer_lowered:
.L_overlay_start_2:
0xce: {  	(tag) =	ssettag $0x2  }
0xcf: {  	s0 =	rddreg [dreg:$0x0];
	s2 =	stileid.u32  }
0xd0: {  	s1 =	rddreg [dreg:$0x1];
	p0 =	sne.s32 s2, $0x0  }
0xd1: {  	s3 =	rddreg [dreg:$0x2];
	[bflag:$0x3] =	sbarrier.arrive $0xFFFF;
	s2 =	simm.s32 @!p0 $0x1C0B  }
0xd2: {  	[timem:s3], [sflag:s2] =	dma.local @!p0 [hbm:s0], s1  }
0xd3: {  	s0 =	simm.s32 @!p0 $0xB  }
0xd4: {  	_ =	swait.ge @!p0 [sflag:s0], s1  }
0xd5: {  	s1 =	ssub.s32 @!p0 $0x0, s1;
	[sflag:s0] =	ssyncset.done @!p0 $0x0  }
0xd6: {  	[sflag:s0] =	ssyncadd.s32 @!p0 s1  }
0xd7: {  	[bflag:$0x3] =	sbarrier.arrive $0xFFFF  }
0xd8: {  	_ =	shalt  }

</sc_bundles>
